<compile_context>
chip_gen: v7x
topology: tpu7x:2x2x1
jax: 0.10.2.dev20260603
libtpu: 0.0.44.dev20260713+nightly
codegen_flags: <defaults>
</compile_context>

<pallas_src>
import functools

import jax
import jax.numpy as jnp
from jax import lax
from jax.experimental import pallas as pl
from jax.experimental.pallas import tpu as pltpu
from jax.experimental.pallas import tpu_sc as plsc

N = 10000
M = 320000
NE = 20000
D = 128
ALPHA = 0.5

NC, NS = 2, 16
NW = NC * NS
CPW = D // NW
CHUNK = 1600
GROUPS = CHUNK // 16
NCHUNKS = M // CHUNK
DEG_PER = -(-N // NW)
DEG_PAD = 320


def _seg_sum_body(compute_deg, n_rows, n_segs, src_hbm, seg_hbm, table_hbm,
                  *refs):
    if compute_deg:
        (out_hbm, deg_hbm, table_v, acc_v, deg_v,
         sb0, gb0, sb1, gb1, sem0, sem1) = refs
    else:
        (out_hbm, table_v, acc_v, sb0, gb0, sb1, gb1, sem0, sem1) = refs
        deg_hbm = deg_v = None
    w = lax.axis_index("s") * NC + lax.axis_index("c")

    pltpu.sync_copy(table_hbm.at[w], table_v)

    zero16 = jnp.zeros((16,), jnp.float32)

    def zero_body(i, _):
        acc_v[pl.ds(i * 16, 16)] = zero16
        return 0
    lax.fori_loop(0, (n_segs * CPW) // 16, zero_body, 0)

    if compute_deg:
        def zero_deg(i, _):
            deg_v[pl.ds(i * 16, 16)] = zero16
            return 0
        lax.fori_loop(0, DEG_PAD // 16, zero_deg, 0)
        deg_lo = w * DEG_PER
        ones16 = jnp.ones((16,), jnp.float32)

    bufs = ((sb0, gb0, sem0), (sb1, gb1, sem1))

    def issue(ci, b):
        sb, gb, sem = bufs[b]
        pltpu.async_copy(src_hbm.at[pl.ds(ci * CHUNK, CHUNK)], sb, sem)
        pltpu.async_copy(seg_hbm.at[pl.ds(ci * CHUNK, CHUNK)], gb, sem)

    def wait(b):
        sb, gb, sem = bufs[b]
        pltpu.make_async_copy(src_hbm.at[pl.ds(0, CHUNK)], sb, sem).wait()
        pltpu.make_async_copy(seg_hbm.at[pl.ds(0, CHUNK)], gb, sem).wait()

    def consume(b):
        sb, gb, _ = bufs[b]

        def grp(g, _):
            i16 = sb[pl.ds(g * 16, 16)]
            o16 = gb[pl.ds(g * 16, 16)]
            vals = [plsc.load_gather(table_v, [i16 + c * n_rows])
                    for c in range(CPW)]
            for c in range(CPW):
                plsc.addupdate_scatter(acc_v, [o16 + c * n_segs], vals[c])
            if compute_deg:
                mk = (i16 >= deg_lo) & (i16 < deg_lo + DEG_PER)
                di = jnp.where(mk, i16 - deg_lo, 0)
                plsc.addupdate_scatter(deg_v, [di], ones16, mask=mk)
            return 0
        lax.fori_loop(0, GROUPS, grp, 0)

    issue(0, 0)

    def pair(p, _):
        issue(2 * p + 1, 1)
        wait(0)
        consume(0)
        issue(jnp.minimum(2 * p + 2, NCHUNKS - 1), 0)
        wait(1)
        consume(1)
        return 0
    lax.fori_loop(0, NCHUNKS // 2, pair, 0)
    wait(0)

    pltpu.sync_copy(acc_v, out_hbm.at[w])
    if compute_deg:
        pltpu.sync_copy(deg_v, deg_hbm.at[w])


def _seg_sum_sc(src, seg, table_blocked, n_rows, n_segs, compute_deg):
    mesh = plsc.VectorSubcoreMesh(core_axis_name="c", subcore_axis_name="s")
    out_type = [jax.ShapeDtypeStruct((NW, n_segs * CPW), jnp.float32)]
    scratch = [
        pltpu.VMEM((n_rows * CPW,), jnp.float32),
        pltpu.VMEM((n_segs * CPW,), jnp.float32),
    ]
    if compute_deg:
        out_type.append(jax.ShapeDtypeStruct((NW, DEG_PAD), jnp.float32))
        scratch.append(pltpu.VMEM((DEG_PAD,), jnp.float32))
    scratch += [
        pltpu.VMEM((CHUNK,), jnp.int32),
        pltpu.VMEM((CHUNK,), jnp.int32),
        pltpu.VMEM((CHUNK,), jnp.int32),
        pltpu.VMEM((CHUNK,), jnp.int32),
        pltpu.SemaphoreType.DMA,
        pltpu.SemaphoreType.DMA,
    ]
    fn = pl.kernel(
        functools.partial(_seg_sum_body, compute_deg, n_rows, n_segs),
        out_type=tuple(out_type),
        mesh=mesh,
        scratch_types=tuple(scratch),
        compiler_params=pltpu.CompilerParams(needs_layout_passes=False),
    )
    return fn(src, seg, table_blocked)


def _mm_t_body(x_ref, w_ref, b_ref, o_ref):
    o_ref[...] = jnp.dot(x_ref[...], w_ref[...],
                         preferred_element_type=jnp.float32).T + b_ref[...]


def _tc_matmul_t(x, w, b_col):
    n, k = x.shape
    cols = w.shape[1]
    return pl.pallas_call(
        _mm_t_body,
        out_shape=jax.ShapeDtypeStruct((cols, n), jnp.float32),
    )(x, w, b_col.reshape(cols, 1))


def _mm_cm_body(w_ref, x_ref, o_ref):
    o_ref[...] = jnp.dot(w_ref[...], x_ref[...],
                         preferred_element_type=jnp.float32)


def _tc_matmul_cm(w_t, x_cm):
    d = w_t.shape[0]
    n = x_cm.shape[1]
    return pl.pallas_call(
        _mm_cm_body,
        out_shape=jax.ShapeDtypeStruct((d, n), jnp.float32),
    )(w_t, x_cm)


def _final_body(a_ref, c_ref, x_ref, deg_ref, w2b_ref, ww_ref, wb_ref, o_ref):
    xv = deg_ref[...] * (a_ref[...].T + w2b_ref[...]) + c_ref[...].T
    xn = (1.0 - ALPHA) * xv + ALPHA * x_ref[...]
    o_ref[...] = jnp.dot(xn, ww_ref[...],
                         preferred_element_type=jnp.float32) + wb_ref[...]


def _tc_final(a_cm, c_cm, x, deg, w2_b, w_w, w_b):
    n = x.shape[0]
    return pl.pallas_call(
        _final_body,
        out_shape=jax.ShapeDtypeStruct((n, D), jnp.float32),
    )(a_cm, c_cm, x, deg.reshape(n, 1), w2_b.reshape(1, D), w_w,
      w_b.reshape(1, D))


def kernel(X, vertex, edges, W1_w, W1_b, W2_w, W2_b, W_w, W_b):
    vertex = vertex.astype(jnp.int32)
    edges = edges.astype(jnp.int32)

    w_cat = jnp.concatenate([W1_w, W2_w[:D]], axis=1)
    b_cat = jnp.concatenate([W1_b, jnp.zeros((D,), jnp.float32)])
    xw_cm = _tc_matmul_t(X, w_cat, b_cat)
    h_blocked = xw_cm[:D].reshape(NW, CPW * N)
    a_cm = xw_cm[D:]

    xe_b, deg_b = _seg_sum_sc(vertex, edges, h_blocked, N, NE,
                              compute_deg=True)
    deg = deg_b[:, :DEG_PER].reshape(-1)[:N]

    b_cm = _tc_matmul_cm(W2_w[D:].T, xe_b.reshape(D, NE))

    (c_b,) = _seg_sum_sc(edges, vertex, b_cm.reshape(NW, CPW * NE), NE, N,
                         compute_deg=False)

    return _tc_final(a_cm, c_b.reshape(D, N), X, deg, W2_b, W_w, W_b)

# --- scband reference (transcript-rebuilt; emitter-appended) ---
"""Pipeline reference for scband-equiv-set-conv-53137335386864 (READ-ONLY COPY).

The authoritative reference and input builder live on the scoring server;
editing this copy changes nothing except your own understanding.
"""

import jax, jax.numpy as jnp
import numpy as np

N = 10000      # num nodes
M = 320000     # num incidences (vertex-hyperedge pairs)
NE = 20000     # num hyperedges
D = 128        # in_features == out_features
ALPHA = 0.5


def setup_inputs(seed: int = 0) -> dict:
    key = jax.random.key(seed)
    ks = jax.random.split(key, 9)
    X = jax.random.normal(ks[0], (N, D), dtype=jnp.float32)
    vertex = jax.random.randint(ks[1], (M,), 0, N)
    edges = jax.random.randint(ks[2], (M,), 0, NE)
    s1 = 1.0 / np.sqrt(D)
    s2 = 1.0 / np.sqrt(2 * D)
    W1_w = jax.random.uniform(ks[3], (D, D), minval=-s1, maxval=s1, dtype=jnp.float32)
    W1_b = jax.random.uniform(ks[4], (D,), minval=-s1, maxval=s1, dtype=jnp.float32)
    W2_w = jax.random.uniform(ks[5], (2 * D, D), minval=-s2, maxval=s2, dtype=jnp.float32)
    W2_b = jax.random.uniform(ks[6], (D,), minval=-s2, maxval=s2, dtype=jnp.float32)
    W_w = jax.random.uniform(ks[7], (D, D), minval=-s1, maxval=s1, dtype=jnp.float32)
    W_b = jax.random.uniform(ks[8], (D,), minval=-s1, maxval=s1, dtype=jnp.float32)
    return {"X": X, "vertex": vertex, "edges": edges,
            "W1_w": W1_w, "W1_b": W1_b, "W2_w": W2_w, "W2_b": W2_b,
            "W_w": W_w, "W_b": W_b}


def reference(X, vertex, edges, W1_w, W1_b, W2_w, W2_b, W_w, W_b):
    # diffusion=False so the spmm with dif_s is skipped
    X0 = X
    # W1 (single-layer MLP = Linear), then gather rows by vertex
    Xve = (X @ W1_w + W1_b)[vertex]
    # scatter-add over hyperedge ids (aggr='add')
    Xe = jax.ops.segment_sum(Xve, edges, num_segments=NE)
    # gather hyperedge embeddings back to incidences
    Xev = Xe[edges]
    # W2 on concat([X[vertex], Xev])
    Xev = jnp.concatenate([X[vertex], Xev], axis=-1) @ W2_w + W2_b
    # scatter-add back to nodes (dim_size=N)
    Xv = jax.ops.segment_sum(Xev, vertex, num_segments=N)
    Xn = (1.0 - ALPHA) * Xv + ALPHA * X0
    # W (single-layer MLP = Linear)
    return Xn @ W_w + W_b

if __name__ == "__main__":
    import jax
    _d = setup_inputs()
    print(jax.jit(kernel)(*tuple(_d.values())))

</pallas_src>

<mosaic_0001>
#map = affine_map<(d0, d1) -> (0)>
#map1 = affine_map<(d0, d1) -> (0, 0)>
module attributes {stable_mosaic.version = 14 : i64} {
  func.func @_seg_sum_body(%arg0: i32, %arg1: i32, %arg2: memref<320000xi32, #tpu.memory_space<hbm>>, %arg3: memref<320000xi32, #tpu.memory_space<hbm>>, %arg4: memref<32x80000xf32, #tpu.memory_space<hbm>>, %arg5: memref<32x40000xf32, #tpu.memory_space<hbm>>, %arg6: memref<80000xf32, #tpu.memory_space<vmem>>, %arg7: memref<40000xf32, #tpu.memory_space<vmem>>, %arg8: memref<1600xi32, #tpu.memory_space<vmem>>, %arg9: memref<1600xi32, #tpu.memory_space<vmem>>, %arg10: memref<1600xi32, #tpu.memory_space<vmem>>, %arg11: memref<1600xi32, #tpu.memory_space<vmem>>, %arg12: memref<!tpu.dma_semaphore, #tpu.memory_space<semaphore_mem>>, %arg13: memref<!tpu.dma_semaphore, #tpu.memory_space<semaphore_mem>>) attributes {dimension_semantics = [#tpu.dimension_semantics<core_parallel>, #tpu.dimension_semantics<subcore_parallel>], iteration_bounds = array<i64: 2, 16>, scalar_prefetch = 0 : i64, scratch_operands = 8 : i64, tpu.core_type = #tpu.core_type<sc_vector_subcore>, window_params = [{transform_indices = #map}, {transform_indices = #map}, {transform_indices = #map1}, {transform_indices = #map1}]} {
    %mul3A = arith.constant 2 : i32
    %mul3A_0 = arith.muli %arg1, %mul3A : i32
    %add3A = arith.addi %mul3A_0, %arg0 : i32
    "tpu.region"() ({
      %run_scoped3A = tpu.sem_alloc : memref<!tpu.dma_semaphore, #tpu.memory_space<semaphore_mem>>
      %dma_start3A_29 = arith.constant 0 : i32
      %dma_start3A_30 = tpu.memref_slice %arg4[%add3A, %dma_start3A_29] : memref<32x80000xf32, #tpu.memory_space<hbm>> -> memref<1x80000xf32, #tpu.memory_space<hbm>>
      %dma_start3A_31 = tpu.memref_squeeze %dma_start3A_30 : memref<1x80000xf32, #tpu.memory_space<hbm>> -> memref<80000xf32, #tpu.memory_space<hbm>>
      %dma_start3A_32 = arith.constant 0 : i32
      %dma_start3A_33 = tpu.memref_slice %arg4[%add3A, %dma_start3A_32] : memref<32x80000xf32, #tpu.memory_space<hbm>> -> memref<1x80000xf32, #tpu.memory_space<hbm>>
      %dma_start3A_34 = tpu.memref_squeeze %dma_start3A_33 : memref<1x80000xf32, #tpu.memory_space<hbm>> -> memref<80000xf32, #tpu.memory_space<hbm>>
      tpu.enqueue_dma source(%dma_start3A_34 : memref<80000xf32, #tpu.memory_space<hbm>>) target(%arg6 : memref<80000xf32, #tpu.memory_space<vmem>>) target_semaphore(%run_scoped3A : memref<!tpu.dma_semaphore, #tpu.memory_space<semaphore_mem>>)
      %dma_wait3A_35 = arith.constant 0 : i32
      %dma_wait3A_36 = tpu.memref_slice %arg4[%add3A, %dma_wait3A_35] : memref<32x80000xf32, #tpu.memory_space<hbm>> -> memref<1x80000xf32, #tpu.memory_space<hbm>>
      %dma_wait3A_37 = tpu.memref_squeeze %dma_wait3A_36 : memref<1x80000xf32, #tpu.memory_space<hbm>> -> memref<80000xf32, #tpu.memory_space<hbm>>
      %dma_wait3A_38 = arith.constant 0 : i32
      %dma_wait3A_39 = tpu.memref_slice %arg4[%add3A, %dma_wait3A_38] : memref<32x80000xf32, #tpu.memory_space<hbm>> -> memref<1x80000xf32, #tpu.memory_space<hbm>>
      %dma_wait3A_40 = tpu.memref_squeeze %dma_wait3A_39 : memref<1x80000xf32, #tpu.memory_space<hbm>> -> memref<80000xf32, #tpu.memory_space<hbm>>
      tpu.wait_dma2 semaphore(%run_scoped3A : memref<!tpu.dma_semaphore, #tpu.memory_space<semaphore_mem>>) src(%dma_wait3A_40 : memref<80000xf32, #tpu.memory_space<hbm>>) dst(%arg6 : memref<80000xf32, #tpu.memory_space<vmem>>)
      tpu.yield
    }) : () -> ()
    %broadcast_in_dim3A = arith.constant 0.000000e+00 : f32
    %broadcast_in_dim3A_1 = vector.broadcast %broadcast_in_dim3A : f32 to vector<16xf32>
    %scan3A = arith.constant 0 : i32
    %scan3A_2 = arith.constant 0 : i32
    %scan3A_3 = arith.constant 2500 : i32
    %scan3A_4 = arith.addi %scan3A_2, %scan3A_3 : i32
    %scan3A_5 = arith.constant 1 : i32
    %scan3A_6 = scf.for %scan3A_29 = %scan3A_2 to %scan3A_4 step %scan3A_5 iter_args(%scan3A_30 = %scan3A) -> (i32)  : i32 {
      %mul3A_31 = arith.constant 16 : i32
      %mul3A_32 = arith.muli %scan3A_29, %mul3A_31 : i32
      %swap3A = arith.index_cast %mul3A_32 : i32 to index
      %swap3A_33 = tpu.vector_load %arg7[%swap3A] {strides = array<i32>} : memref<40000xf32, #tpu.memory_space<vmem>>, vector<16xf32>,
      tpu.vector_store %arg7[%swap3A], %broadcast_in_dim3A_1 {strides = array<i32>} : memref<40000xf32, #tpu.memory_space<vmem>>, vector<16xf32>,
      %scan3A_34 = arith.constant 0 : i32
      scf.yield %scan3A_34 : i32
    }
    %scan3A_7 = arith.constant 2500 : i32
    %dma_start3A = arith.constant 0 : i32
    %dma_start3A_8 = tpu.memref_slice %arg2[%dma_start3A] : memref<320000xi32, #tpu.memory_space<hbm>> -> memref<1600xi32, #tpu.memory_space<hbm>>
    %dma_start3A_9 = arith.constant 0 : i32
    %dma_start3A_10 = tpu.memref_slice %arg2[%dma_start3A_9] : memref<320000xi32, #tpu.memory_space<hbm>> -> memref<1600xi32, #tpu.memory_space<hbm>>
    tpu.enqueue_dma source(%dma_start3A_10 : memref<1600xi32, #tpu.memory_space<hbm>>) target(%arg8 : memref<1600xi32, #tpu.memory_space<vmem>>) target_semaphore(%arg12 : memref<!tpu.dma_semaphore, #tpu.memory_space<semaphore_mem>>)
    %dma_start3A_11 = arith.constant 0 : i32
    %dma_start3A_12 = tpu.memref_slice %arg3[%dma_start3A_11] : memref<320000xi32, #tpu.memory_space<hbm>> -> memref<1600xi32, #tpu.memory_space<hbm>>
    %dma_start3A_13 = arith.constant 0 : i32
    %dma_start3A_14 = tpu.memref_slice %arg3[%dma_start3A_13] : memref<320000xi32, #tpu.memory_space<hbm>> -> memref<1600xi32, #tpu.memory_space<hbm>>
    tpu.enqueue_dma source(%dma_start3A_14 : memref<1600xi32, #tpu.memory_space<hbm>>) target(%arg9 : memref<1600xi32, #tpu.memory_space<vmem>>) target_semaphore(%arg12 : memref<!tpu.dma_semaphore, #tpu.memory_space<semaphore_mem>>)
    %scan3A_15 = arith.constant 0 : i32
    %scan3A_16 = arith.constant 0 : i32
    %scan3A_17 = arith.constant 100 : i32
    %scan3A_18 = arith.addi %scan3A_16, %scan3A_17 : i32
    %scan3A_19 = arith.constant 1 : i32
    %scan3A_20 = scf.for %scan3A_29 = %scan3A_16 to %scan3A_18 step %scan3A_19 iter_args(%scan3A_30 = %scan3A_15) -> (i32)  : i32 {
      %mul3A_31 = arith.constant 2 : i32
      %mul3A_32 = arith.muli %mul3A_31, %scan3A_29 : i32
      %add3A_33 = arith.constant 1 : i32
      %add3A_34 = arith.addi %mul3A_32, %add3A_33 : i32
      %mul3A_35 = arith.constant 1600 : i32
      %mul3A_36 = arith.muli %add3A_34, %mul3A_35 : i32
      %dma_start3A_37 = tpu.memref_slice %arg2[%mul3A_36] : memref<320000xi32, #tpu.memory_space<hbm>> -> memref<1600xi32, #tpu.memory_space<hbm>>
      %dma_start3A_38 = tpu.memref_slice %arg2[%mul3A_36] : memref<320000xi32, #tpu.memory_space<hbm>> -> memref<1600xi32, #tpu.memory_space<hbm>>
      tpu.enqueue_dma source(%dma_start3A_38 : memref<1600xi32, #tpu.memory_space<hbm>>) target(%arg10 : memref<1600xi32, #tpu.memory_space<vmem>>) target_semaphore(%arg13 : memref<!tpu.dma_semaphore, #tpu.memory_space<semaphore_mem>>)
      %mul3A_39 = arith.constant 1600 : i32
      %mul3A_40 = arith.muli %add3A_34, %mul3A_39 : i32
      %dma_start3A_41 = tpu.memref_slice %arg3[%mul3A_40] : memref<320000xi32, #tpu.memory_space<hbm>> -> memref<1600xi32, #tpu.memory_space<hbm>>
      %dma_start3A_42 = tpu.memref_slice %arg3[%mul3A_40] : memref<320000xi32, #tpu.memory_space<hbm>> -> memref<1600xi32, #tpu.memory_space<hbm>>
      tpu.enqueue_dma source(%dma_start3A_42 : memref<1600xi32, #tpu.memory_space<hbm>>) target(%arg11 : memref<1600xi32, #tpu.memory_space<vmem>>) target_semaphore(%arg13 : memref<!tpu.dma_semaphore, #tpu.memory_space<semaphore_mem>>)
      %dma_wait3A_43 = arith.constant 0 : i32
      %dma_wait3A_44 = tpu.memref_slice %arg2[%dma_wait3A_43] : memref<320000xi32, #tpu.memory_space<hbm>> -> memref<1600xi32, #tpu.memory_space<hbm>>
      %dma_wait3A_45 = arith.constant 0 : i32
      %dma_wait3A_46 = tpu.memref_slice %arg2[%dma_wait3A_45] : memref<320000xi32, #tpu.memory_space<hbm>> -> memref<1600xi32, #tpu.memory_space<hbm>>
      tpu.wait_dma2 semaphore(%arg12 : memref<!tpu.dma_semaphore, #tpu.memory_space<semaphore_mem>>) src(%dma_wait3A_46 : memref<1600xi32, #tpu.memory_space<hbm>>) dst(%arg8 : memref<1600xi32, #tpu.memory_space<vmem>>)
      %dma_wait3A_47 = arith.constant 0 : i32
      %dma_wait3A_48 = tpu.memref_slice %arg3[%dma_wait3A_47] : memref<320000xi32, #tpu.memory_space<hbm>> -> memref<1600xi32, #tpu.memory_space<hbm>>
      %dma_wait3A_49 = arith.constant 0 : i32
      %dma_wait3A_50 = tpu.memref_slice %arg3[%dma_wait3A_49] : memref<320000xi32, #tpu.memory_space<hbm>> -> memref<1600xi32, #tpu.memory_space<hbm>>
      tpu.wait_dma2 semaphore(%arg12 : memref<!tpu.dma_semaphore, #tpu.memory_space<semaphore_mem>>) src(%dma_wait3A_50 : memref<1600xi32, #tpu.memory_space<hbm>>) dst(%arg9 : memref<1600xi32, #tpu.memory_space<vmem>>)
      %scan3A_51 = arith.constant 0 : i32
      %scan3A_52 = arith.constant 0 : i32
      %scan3A_53 = arith.constant 100 : i32
      %scan3A_54 = arith.addi %scan3A_52, %scan3A_53 : i32
      %scan3A_55 = arith.constant 1 : i32
      %scan3A_56 = scf.for %scan3A_87 = %scan3A_52 to %scan3A_54 step %scan3A_55 iter_args(%scan3A_88 = %scan3A_51) -> (i32)  : i32 {
        %mul3A_89 = arith.constant 16 : i32
        %mul3A_90 = arith.muli %scan3A_87, %mul3A_89 : i32
        %get3A = arith.index_cast %mul3A_90 : i32 to index
        %get3A_91 = tpu.vector_load %arg8[%get3A] {strides = array<i32>} : memref<1600xi32, #tpu.memory_space<vmem>>, vector<16xi32>,
        %mul3A_92 = arith.constant 16 : i32
        %mul3A_93 = arith.muli %scan3A_87, %mul3A_92 : i32
        %get3A_94 = arith.index_cast %mul3A_93 : i32 to index
        %get3A_95 = tpu.vector_load %arg9[%get3A_94] {strides = array<i32>} : memref<1600xi32, #tpu.memory_space<vmem>>, vector<16xi32>,
        %add3A_96 = arith.constant 0 : i32
        %add3A_97 = vector.broadcast %add3A_96 : i32 to vector<16xi32>
        %add3A_98 = arith.addi %get3A_91, %add3A_97 : vector<16xi32>
        %gather3A = tpu.vector_load_idx %arg6[%add3A_98] : memref<80000xf32, #tpu.memory_space<vmem>>[vector<16xi32>], vector<16xf32>,
        %add3A_99 = arith.constant 20000 : i32
        %add3A_100 = vector.broadcast %add3A_99 : i32 to vector<16xi32>
        %add3A_101 = arith.addi %get3A_91, %add3A_100 : vector<16xi32>
        %gather3A_102 = tpu.vector_load_idx %arg6[%add3A_101] : memref<80000xf32, #tpu.memory_space<vmem>>[vector<16xi32>], vector<16xf32>,
        %add3A_103 = arith.constant 40000 : i32
        %add3A_104 = vector.broadcast %add3A_103 : i32 to vector<16xi32>
        %add3A_105 = arith.addi %get3A_91, %add3A_104 : vector<16xi32>
        %gather3A_106 = tpu.vector_load_idx %arg6[%add3A_105] : memref<80000xf32, #tpu.memory_space<vmem>>[vector<16xi32>], vector<16xf32>,
        %add3A_107 = arith.constant 60000 : i32
        %add3A_108 = vector.broadcast %add3A_107 : i32 to vector<16xi32>
        %add3A_109 = arith.addi %get3A_91, %add3A_108 : vector<16xi32>
        %gather3A_110 = tpu.vector_load_idx %arg6[%add3A_109] : memref<80000xf32, #tpu.memory_space<vmem>>[vector<16xi32>], vector<16xf32>,
        %add3A_111 = arith.constant 0 : i32
        %add3A_112 = vector.broadcast %add3A_111 : i32 to vector<16xi32>
        %add3A_113 = arith.addi %get3A_95, %add3A_112 : vector<16xi32>
        tpu.vector_store_idx %arg7[%add3A_113], %gather3A {add = true} : memref<40000xf32, #tpu.memory_space<vmem>>[vector<16xi32>], vector<16xf32>,
        %add3A_114 = arith.constant 10000 : i32
        %add3A_115 = vector.broadcast %add3A_114 : i32 to vector<16xi32>
        %add3A_116 = arith.addi %get3A_95, %add3A_115 : vector<16xi32>
        tpu.vector_store_idx %arg7[%add3A_116], %gather3A_102 {add = true} : memref<40000xf32, #tpu.memory_space<vmem>>[vector<16xi32>], vector<16xf32>,
        %add3A_117 = arith.constant 20000 : i32
        %add3A_118 = vector.broadcast %add3A_117 : i32 to vector<16xi32>
        %add3A_119 = arith.addi %get3A_95, %add3A_118 : vector<16xi32>
        tpu.vector_store_idx %arg7[%add3A_119], %gather3A_106 {add = true} : memref<40000xf32, #tpu.memory_space<vmem>>[vector<16xi32>], vector<16xf32>,
        %add3A_120 = arith.constant 30000 : i32
        %add3A_121 = vector.broadcast %add3A_120 : i32 to vector<16xi32>
        %add3A_122 = arith.addi %get3A_95, %add3A_121 : vector<16xi32>
        tpu.vector_store_idx %arg7[%add3A_122], %gather3A_110 {add = true} : memref<40000xf32, #tpu.memory_space<vmem>>[vector<16xi32>], vector<16xf32>,
        %scan3A_123 = arith.constant 0 : i32
        scf.yield %scan3A_123 : i32
      }
      %scan3A_57 = arith.constant 100 : i32
      %mul3A_58 = arith.constant 2 : i32
      %mul3A_59 = arith.muli %mul3A_58, %scan3A_29 : i32
      %add3A_60 = arith.constant 2 : i32
      %add3A_61 = arith.addi %mul3A_59, %add3A_60 : i32
      %min3A = arith.constant 199 : i32
      %min3A_62 = arith.minsi %add3A_61, %min3A : i32
      %mul3A_63 = arith.constant 1600 : i32
      %mul3A_64 = arith.muli %min3A_62, %mul3A_63 : i32
      %dma_start3A_65 = tpu.memref_slice %arg2[%mul3A_64] : memref<320000xi32, #tpu.memory_space<hbm>> -> memref<1600xi32, #tpu.memory_space<hbm>>
      %dma_start3A_66 = tpu.memref_slice %arg2[%mul3A_64] : memref<320000xi32, #tpu.memory_space<hbm>> -> memref<1600xi32, #tpu.memory_space<hbm>>
      tpu.enqueue_dma source(%dma_start3A_66 : memref<1600xi32, #tpu.memory_space<hbm>>) target(%arg8 : memref<1600xi32, #tpu.memory_space<vmem>>) target_semaphore(%arg12 : memref<!tpu.dma_semaphore, #tpu.memory_space<semaphore_mem>>)
      %mul3A_67 = arith.constant 1600 : i32
      %mul3A_68 = arith.muli %min3A_62, %mul3A_67 : i32
      %dma_start3A_69 = tpu.memref_slice %arg3[%mul3A_68] : memref<320000xi32, #tpu.memory_space<hbm>> -> memref<1600xi32, #tpu.memory_space<hbm>>
      %dma_start3A_70 = tpu.memref_slice %arg3[%mul3A_68] : memref<320000xi32, #tpu.memory_space<hbm>> -> memref<1600xi32, #tpu.memory_space<hbm>>
      tpu.enqueue_dma source(%dma_start3A_70 : memref<1600xi32, #tpu.memory_space<hbm>>) target(%arg9 : memref<1600xi32, #tpu.memory_space<vmem>>) target_semaphore(%arg12 : memref<!tpu.dma_semaphore, #tpu.memory_space<semaphore_mem>>)
      %dma_wait3A_71 = arith.constant 0 : i32
      %dma_wait3A_72 = tpu.memref_slice %arg2[%dma_wait3A_71] : memref<320000xi32, #tpu.memory_space<hbm>> -> memref<1600xi32, #tpu.memory_space<hbm>>
      %dma_wait3A_73 = arith.constant 0 : i32
      %dma_wait3A_74 = tpu.memref_slice %arg2[%dma_wait3A_73] : memref<320000xi32, #tpu.memory_space<hbm>> -> memref<1600xi32, #tpu.memory_space<hbm>>
      tpu.wait_dma2 semaphore(%arg13 : memref<!tpu.dma_semaphore, #tpu.memory_space<semaphore_mem>>) src(%dma_wait3A_74 : memref<1600xi32, #tpu.memory_space<hbm>>) dst(%arg10 : memref<1600xi32, #tpu.memory_space<vmem>>)
      %dma_wait3A_75 = arith.constant 0 : i32
      %dma_wait3A_76 = tpu.memref_slice %arg3[%dma_wait3A_75] : memref<320000xi32, #tpu.memory_space<hbm>> -> memref<1600xi32, #tpu.memory_space<hbm>>
      %dma_wait3A_77 = arith.constant 0 : i32
      %dma_wait3A_78 = tpu.memref_slice %arg3[%dma_wait3A_77] : memref<320000xi32, #tpu.memory_space<hbm>> -> memref<1600xi32, #tpu.memory_space<hbm>>
      tpu.wait_dma2 semaphore(%arg13 : memref<!tpu.dma_semaphore, #tpu.memory_space<semaphore_mem>>) src(%dma_wait3A_78 : memref<1600xi32, #tpu.memory_space<hbm>>) dst(%arg11 : memref<1600xi32, #tpu.memory_space<vmem>>)
      %scan3A_79 = arith.constant 0 : i32
      %scan3A_80 = arith.constant 0 : i32
      %scan3A_81 = arith.constant 100 : i32
      %scan3A_82 = arith.addi %scan3A_80, %scan3A_81 : i32
      %scan3A_83 = arith.constant 1 : i32
      %scan3A_84 = scf.for %scan3A_87 = %scan3A_80 to %scan3A_82 step %scan3A_83 iter_args(%scan3A_88 = %scan3A_79) -> (i32)  : i32 {
        %mul3A_89 = arith.constant 16 : i32
        %mul3A_90 = arith.muli %scan3A_87, %mul3A_89 : i32
        %get3A = arith.index_cast %mul3A_90 : i32 to index
        %get3A_91 = tpu.vector_load %arg10[%get3A] {strides = array<i32>} : memref<1600xi32, #tpu.memory_space<vmem>>, vector<16xi32>,
        %mul3A_92 = arith.constant 16 : i32
        %mul3A_93 = arith.muli %scan3A_87, %mul3A_92 : i32
        %get3A_94 = arith.index_cast %mul3A_93 : i32 to index
        %get3A_95 = tpu.vector_load %arg11[%get3A_94] {strides = array<i32>} : memref<1600xi32, #tpu.memory_space<vmem>>, vector<16xi32>,
        %add3A_96 = arith.constant 0 : i32
        %add3A_97 = vector.broadcast %add3A_96 : i32 to vector<16xi32>
        %add3A_98 = arith.addi %get3A_91, %add3A_97 : vector<16xi32>
        %gather3A = tpu.vector_load_idx %arg6[%add3A_98] : memref<80000xf32, #tpu.memory_space<vmem>>[vector<16xi32>], vector<16xf32>,
        %add3A_99 = arith.constant 20000 : i32
        %add3A_100 = vector.broadcast %add3A_99 : i32 to vector<16xi32>
        %add3A_101 = arith.addi %get3A_91, %add3A_100 : vector<16xi32>
        %gather3A_102 = tpu.vector_load_idx %arg6[%add3A_101] : memref<80000xf32, #tpu.memory_space<vmem>>[vector<16xi32>], vector<16xf32>,
        %add3A_103 = arith.constant 40000 : i32
        %add3A_104 = vector.broadcast %add3A_103 : i32 to vector<16xi32>
        %add3A_105 = arith.addi %get3A_91, %add3A_104 : vector<16xi32>
        %gather3A_106 = tpu.vector_load_idx %arg6[%add3A_105] : memref<80000xf32, #tpu.memory_space<vmem>>[vector<16xi32>], vector<16xf32>,
        %add3A_107 = arith.constant 60000 : i32
        %add3A_108 = vector.broadcast %add3A_107 : i32 to vector<16xi32>
        %add3A_109 = arith.addi %get3A_91, %add3A_108 : vector<16xi32>
        %gather3A_110 = tpu.vector_load_idx %arg6[%add3A_109] : memref<80000xf32, #tpu.memory_space<vmem>>[vector<16xi32>], vector<16xf32>,
        %add3A_111 = arith.constant 0 : i32
        %add3A_112 = vector.broadcast %add3A_111 : i32 to vector<16xi32>
        %add3A_113 = arith.addi %get3A_95, %add3A_112 : vector<16xi32>
        tpu.vector_store_idx %arg7[%add3A_113], %gather3A {add = true} : memref<40000xf32, #tpu.memory_space<vmem>>[vector<16xi32>], vector<16xf32>,
        %add3A_114 = arith.constant 10000 : i32
        %add3A_115 = vector.broadcast %add3A_114 : i32 to vector<16xi32>
        %add3A_116 = arith.addi %get3A_95, %add3A_115 : vector<16xi32>
        tpu.vector_store_idx %arg7[%add3A_116], %gather3A_102 {add = true} : memref<40000xf32, #tpu.memory_space<vmem>>[vector<16xi32>], vector<16xf32>,
        %add3A_117 = arith.constant 20000 : i32
        %add3A_118 = vector.broadcast %add3A_117 : i32 to vector<16xi32>
        %add3A_119 = arith.addi %get3A_95, %add3A_118 : vector<16xi32>
        tpu.vector_store_idx %arg7[%add3A_119], %gather3A_106 {add = true} : memref<40000xf32, #tpu.memory_space<vmem>>[vector<16xi32>], vector<16xf32>,
        %add3A_120 = arith.constant 30000 : i32
        %add3A_121 = vector.broadcast %add3A_120 : i32 to vector<16xi32>
        %add3A_122 = arith.addi %get3A_95, %add3A_121 : vector<16xi32>
        tpu.vector_store_idx %arg7[%add3A_122], %gather3A_110 {add = true} : memref<40000xf32, #tpu.memory_space<vmem>>[vector<16xi32>], vector<16xf32>,
        %scan3A_123 = arith.constant 0 : i32
        scf.yield %scan3A_123 : i32
      }
      %scan3A_85 = arith.constant 100 : i32
      %scan3A_86 = arith.constant 0 : i32
      scf.yield %scan3A_86 : i32
    }
    %scan3A_21 = arith.constant 100 : i32
    %dma_wait3A = arith.constant 0 : i32
    %dma_wait3A_22 = tpu.memref_slice %arg2[%dma_wait3A] : memref<320000xi32, #tpu.memory_space<hbm>> -> memref<1600xi32, #tpu.memory_space<hbm>>
    %dma_wait3A_23 = arith.constant 0 : i32
    %dma_wait3A_24 = tpu.memref_slice %arg2[%dma_wait3A_23] : memref<320000xi32, #tpu.memory_space<hbm>> -> memref<1600xi32, #tpu.memory_space<hbm>>
    tpu.wait_dma2 semaphore(%arg12 : memref<!tpu.dma_semaphore, #tpu.memory_space<semaphore_mem>>) src(%dma_wait3A_24 : memref<1600xi32, #tpu.memory_space<hbm>>) dst(%arg8 : memref<1600xi32, #tpu.memory_space<vmem>>)
    %dma_wait3A_25 = arith.constant 0 : i32
    %dma_wait3A_26 = tpu.memref_slice %arg3[%dma_wait3A_25] : memref<320000xi32, #tpu.memory_space<hbm>> -> memref<1600xi32, #tpu.memory_space<hbm>>
    %dma_wait3A_27 = arith.constant 0 : i32
    %dma_wait3A_28 = tpu.memref_slice %arg3[%dma_wait3A_27] : memref<320000xi32, #tpu.memory_space<hbm>> -> memref<1600xi32, #tpu.memory_space<hbm>>
    tpu.wait_dma2 semaphore(%arg12 : memref<!tpu.dma_semaphore, #tpu.memory_space<semaphore_mem>>) src(%dma_wait3A_28 : memref<1600xi32, #tpu.memory_space<hbm>>) dst(%arg9 : memref<1600xi32, #tpu.memory_space<vmem>>)
    "tpu.region"() ({
      %run_scoped3A = tpu.sem_alloc : memref<!tpu.dma_semaphore, #tpu.memory_space<semaphore_mem>>
      %dma_start3A_29 = arith.constant 0 : i32
      %dma_start3A_30 = tpu.memref_slice %arg5[%add3A, %dma_start3A_29] : memref<32x40000xf32, #tpu.memory_space<hbm>> -> memref<1x40000xf32, #tpu.memory_space<hbm>>
      %dma_start3A_31 = tpu.memref_squeeze %dma_start3A_30 : memref<1x40000xf32, #tpu.memory_space<hbm>> -> memref<40000xf32, #tpu.memory_space<hbm>>
      %dma_start3A_32 = arith.constant 0 : i32
      %dma_start3A_33 = tpu.memref_slice %arg5[%add3A, %dma_start3A_32] : memref<32x40000xf32, #tpu.memory_space<hbm>> -> memref<1x40000xf32, #tpu.memory_space<hbm>>
      %dma_start3A_34 = tpu.memref_squeeze %dma_start3A_33 : memref<1x40000xf32, #tpu.memory_space<hbm>> -> memref<40000xf32, #tpu.memory_space<hbm>>
      tpu.enqueue_dma source(%arg7 : memref<40000xf32, #tpu.memory_space<vmem>>) target(%dma_start3A_34 : memref<40000xf32, #tpu.memory_space<hbm>>) target_semaphore(%run_scoped3A : memref<!tpu.dma_semaphore, #tpu.memory_space<semaphore_mem>>)
      %dma_wait3A_35 = arith.constant 0 : i32
      %dma_wait3A_36 = tpu.memref_slice %arg5[%add3A, %dma_wait3A_35] : memref<32x40000xf32, #tpu.memory_space<hbm>> -> memref<1x40000xf32, #tpu.memory_space<hbm>>
      %dma_wait3A_37 = tpu.memref_squeeze %dma_wait3A_36 : memref<1x40000xf32, #tpu.memory_space<hbm>> -> memref<40000xf32, #tpu.memory_space<hbm>>
      %dma_wait3A_38 = arith.constant 0 : i32
      %dma_wait3A_39 = tpu.memref_slice %arg5[%add3A, %dma_wait3A_38] : memref<32x40000xf32, #tpu.memory_space<hbm>> -> memref<1x40000xf32, #tpu.memory_space<hbm>>
      %dma_wait3A_40 = tpu.memref_squeeze %dma_wait3A_39 : memref<1x40000xf32, #tpu.memory_space<hbm>> -> memref<40000xf32, #tpu.memory_space<hbm>>
      tpu.wait_dma2 semaphore(%run_scoped3A : memref<!tpu.dma_semaphore, #tpu.memory_space<semaphore_mem>>) src(%arg7 : memref<40000xf32, #tpu.memory_space<vmem>>) dst(%dma_wait3A_40 : memref<40000xf32, #tpu.memory_space<hbm>>)
      tpu.yield
    }) : () -> ()
    return
  }
}

#map = affine_map<(d0, d1) -> (0)>
#map1 = affine_map<(d0, d1) -> (0, 0)>
module attributes {stable_mosaic.version = 14 : i64} {
  func.func @_seg_sum_body(%arg0: i32, %arg1: i32, %arg2: memref<320000xi32, #tpu.memory_space<hbm>>, %arg3: memref<320000xi32, #tpu.memory_space<hbm>>, %arg4: memref<32x40000xf32, #tpu.memory_space<hbm>>, %arg5: memref<32x80000xf32, #tpu.memory_space<hbm>>, %arg6: memref<32x320xf32, #tpu.memory_space<hbm>>, %arg7: memref<40000xf32, #tpu.memory_space<vmem>>, %arg8: memref<80000xf32, #tpu.memory_space<vmem>>, %arg9: memref<320xf32, #tpu.memory_space<vmem>>, %arg10: memref<1600xi32, #tpu.memory_space<vmem>>, %arg11: memref<1600xi32, #tpu.memory_space<vmem>>, %arg12: memref<1600xi32, #tpu.memory_space<vmem>>, %arg13: memref<1600xi32, #tpu.memory_space<vmem>>, %arg14: memref<!tpu.dma_semaphore, #tpu.memory_space<semaphore_mem>>, %arg15: memref<!tpu.dma_semaphore, #tpu.memory_space<semaphore_mem>>) attributes {dimension_semantics = [#tpu.dimension_semantics<core_parallel>, #tpu.dimension_semantics<subcore_parallel>], iteration_bounds = array<i64: 2, 16>, scalar_prefetch = 0 : i64, scratch_operands = 9 : i64, tpu.core_type = #tpu.core_type<sc_vector_subcore>, window_params = [{transform_indices = #map}, {transform_indices = #map}, {transform_indices = #map1}, {transform_indices = #map1}, {transform_indices = #map1}]} {
    %mul3A = arith.constant 2 : i32
    %mul3A_0 = arith.muli %arg1, %mul3A : i32
    %add3A = arith.addi %mul3A_0, %arg0 : i32
    "tpu.region"() ({
      %run_scoped3A = tpu.sem_alloc : memref<!tpu.dma_semaphore, #tpu.memory_space<semaphore_mem>>
      %dma_start3A_40 = arith.constant 0 : i32
      %dma_start3A_41 = tpu.memref_slice %arg4[%add3A, %dma_start3A_40] : memref<32x40000xf32, #tpu.memory_space<hbm>> -> memref<1x40000xf32, #tpu.memory_space<hbm>>
      %dma_start3A_42 = tpu.memref_squeeze %dma_start3A_41 : memref<1x40000xf32, #tpu.memory_space<hbm>> -> memref<40000xf32, #tpu.memory_space<hbm>>
      %dma_start3A_43 = arith.constant 0 : i32
      %dma_start3A_44 = tpu.memref_slice %arg4[%add3A, %dma_start3A_43] : memref<32x40000xf32, #tpu.memory_space<hbm>> -> memref<1x40000xf32, #tpu.memory_space<hbm>>
      %dma_start3A_45 = tpu.memref_squeeze %dma_start3A_44 : memref<1x40000xf32, #tpu.memory_space<hbm>> -> memref<40000xf32, #tpu.memory_space<hbm>>
      tpu.enqueue_dma source(%dma_start3A_45 : memref<40000xf32, #tpu.memory_space<hbm>>) target(%arg7 : memref<40000xf32, #tpu.memory_space<vmem>>) target_semaphore(%run_scoped3A : memref<!tpu.dma_semaphore, #tpu.memory_space<semaphore_mem>>)
      %dma_wait3A_46 = arith.constant 0 : i32
      %dma_wait3A_47 = tpu.memref_slice %arg4[%add3A, %dma_wait3A_46] : memref<32x40000xf32, #tpu.memory_space<hbm>> -> memref<1x40000xf32, #tpu.memory_space<hbm>>
      %dma_wait3A_48 = tpu.memref_squeeze %dma_wait3A_47 : memref<1x40000xf32, #tpu.memory_space<hbm>> -> memref<40000xf32, #tpu.memory_space<hbm>>
      %dma_wait3A_49 = arith.constant 0 : i32
      %dma_wait3A_50 = tpu.memref_slice %arg4[%add3A, %dma_wait3A_49] : memref<32x40000xf32, #tpu.memory_space<hbm>> -> memref<1x40000xf32, #tpu.memory_space<hbm>>
      %dma_wait3A_51 = tpu.memref_squeeze %dma_wait3A_50 : memref<1x40000xf32, #tpu.memory_space<hbm>> -> memref<40000xf32, #tpu.memory_space<hbm>>
      tpu.wait_dma2 semaphore(%run_scoped3A : memref<!tpu.dma_semaphore, #tpu.memory_space<semaphore_mem>>) src(%dma_wait3A_51 : memref<40000xf32, #tpu.memory_space<hbm>>) dst(%arg7 : memref<40000xf32, #tpu.memory_space<vmem>>)
      tpu.yield
    }) : () -> ()
    %broadcast_in_dim3A = arith.constant 0.000000e+00 : f32
    %broadcast_in_dim3A_1 = vector.broadcast %broadcast_in_dim3A : f32 to vector<16xf32>
    %scan3A = arith.constant 0 : i32
    %scan3A_2 = arith.constant 0 : i32
    %scan3A_3 = arith.constant 5000 : i32
    %scan3A_4 = arith.addi %scan3A_2, %scan3A_3 : i32
    %scan3A_5 = arith.constant 1 : i32
    %scan3A_6 = scf.for %scan3A_40 = %scan3A_2 to %scan3A_4 step %scan3A_5 iter_args(%scan3A_41 = %scan3A) -> (i32)  : i32 {
      %mul3A_42 = arith.constant 16 : i32
      %mul3A_43 = arith.muli %scan3A_40, %mul3A_42 : i32
      %swap3A = arith.index_cast %mul3A_43 : i32 to index
      %swap3A_44 = tpu.vector_load %arg8[%swap3A] {strides = array<i32>} : memref<80000xf32, #tpu.memory_space<vmem>>, vector<16xf32>,
      tpu.vector_store %arg8[%swap3A], %broadcast_in_dim3A_1 {strides = array<i32>} : memref<80000xf32, #tpu.memory_space<vmem>>, vector<16xf32>,
      %scan3A_45 = arith.constant 0 : i32
      scf.yield %scan3A_45 : i32
    }
    %scan3A_7 = arith.constant 5000 : i32
    %scan3A_8 = arith.constant 0 : i32
    %scan3A_9 = arith.constant 0 : i32
    %scan3A_10 = arith.constant 20 : i32
    %scan3A_11 = arith.addi %scan3A_9, %scan3A_10 : i32
    %scan3A_12 = arith.constant 1 : i32
    %scan3A_13 = scf.for %scan3A_40 = %scan3A_9 to %scan3A_11 step %scan3A_12 iter_args(%scan3A_41 = %scan3A_8) -> (i32)  : i32 {
      %mul3A_42 = arith.constant 16 : i32
      %mul3A_43 = arith.muli %scan3A_40, %mul3A_42 : i32
      %swap3A = arith.index_cast %mul3A_43 : i32 to index
      %swap3A_44 = tpu.vector_load %arg9[%swap3A] {strides = array<i32>} : memref<320xf32, #tpu.memory_space<vmem>>, vector<16xf32>,
      tpu.vector_store %arg9[%swap3A], %broadcast_in_dim3A_1 {strides = array<i32>} : memref<320xf32, #tpu.memory_space<vmem>>, vector<16xf32>,
      %scan3A_45 = arith.constant 0 : i32
      scf.yield %scan3A_45 : i32
    }
    %scan3A_14 = arith.constant 20 : i32
    %mul3A_15 = arith.constant 313 : i32
    %mul3A_16 = arith.muli %add3A, %mul3A_15 : i32
    %broadcast_in_dim3A_17 = arith.constant 1.000000e+00 : f32
    %broadcast_in_dim3A_18 = vector.broadcast %broadcast_in_dim3A_17 : f32 to vector<16xf32>
    %dma_start3A = arith.constant 0 : i32
    %dma_start3A_19 = tpu.memref_slice %arg2[%dma_start3A] : memref<320000xi32, #tpu.memory_space<hbm>> -> memref<1600xi32, #tpu.memory_space<hbm>>
    %dma_start3A_20 = arith.constant 0 : i32
    %dma_start3A_21 = tpu.memref_slice %arg2[%dma_start3A_20] : memref<320000xi32, #tpu.memory_space<hbm>> -> memref<1600xi32, #tpu.memory_space<hbm>>
    tpu.enqueue_dma source(%dma_start3A_21 : memref<1600xi32, #tpu.memory_space<hbm>>) target(%arg10 : memref<1600xi32, #tpu.memory_space<vmem>>) target_semaphore(%arg14 : memref<!tpu.dma_semaphore, #tpu.memory_space<semaphore_mem>>)
    %dma_start3A_22 = arith.constant 0 : i32
    %dma_start3A_23 = tpu.memref_slice %arg3[%dma_start3A_22] : memref<320000xi32, #tpu.memory_space<hbm>> -> memref<1600xi32, #tpu.memory_space<hbm>>
    %dma_start3A_24 = arith.constant 0 : i32
    %dma_start3A_25 = tpu.memref_slice %arg3[%dma_start3A_24] : memref<320000xi32, #tpu.memory_space<hbm>> -> memref<1600xi32, #tpu.memory_space<hbm>>
    tpu.enqueue_dma source(%dma_start3A_25 : memref<1600xi32, #tpu.memory_space<hbm>>) target(%arg11 : memref<1600xi32, #tpu.memory_space<vmem>>) target_semaphore(%arg14 : memref<!tpu.dma_semaphore, #tpu.memory_space<semaphore_mem>>)
    %scan3A_26 = arith.constant 0 : i32
    %scan3A_27 = arith.constant 0 : i32
    %scan3A_28 = arith.constant 100 : i32
    %scan3A_29 = arith.addi %scan3A_27, %scan3A_28 : i32
    %scan3A_30 = arith.constant 1 : i32
    %scan3A_31 = scf.for %scan3A_40 = %scan3A_27 to %scan3A_29 step %scan3A_30 iter_args(%scan3A_41 = %scan3A_26) -> (i32)  : i32 {
      %mul3A_42 = arith.constant 2 : i32
      %mul3A_43 = arith.muli %mul3A_42, %scan3A_40 : i32
      %add3A_44 = arith.constant 1 : i32
      %add3A_45 = arith.addi %mul3A_43, %add3A_44 : i32
      %mul3A_46 = arith.constant 1600 : i32
      %mul3A_47 = arith.muli %add3A_45, %mul3A_46 : i32
      %dma_start3A_48 = tpu.memref_slice %arg2[%mul3A_47] : memref<320000xi32, #tpu.memory_space<hbm>> -> memref<1600xi32, #tpu.memory_space<hbm>>
      %dma_start3A_49 = tpu.memref_slice %arg2[%mul3A_47] : memref<320000xi32, #tpu.memory_space<hbm>> -> memref<1600xi32, #tpu.memory_space<hbm>>
      tpu.enqueue_dma source(%dma_start3A_49 : memref<1600xi32, #tpu.memory_space<hbm>>) target(%arg12 : memref<1600xi32, #tpu.memory_space<vmem>>) target_semaphore(%arg15 : memref<!tpu.dma_semaphore, #tpu.memory_space<semaphore_mem>>)
      %mul3A_50 = arith.constant 1600 : i32
      %mul3A_51 = arith.muli %add3A_45, %mul3A_50 : i32
      %dma_start3A_52 = tpu.memref_slice %arg3[%mul3A_51] : memref<320000xi32, #tpu.memory_space<hbm>> -> memref<1600xi32, #tpu.memory_space<hbm>>
      %dma_start3A_53 = tpu.memref_slice %arg3[%mul3A_51] : memref<320000xi32, #tpu.memory_space<hbm>> -> memref<1600xi32, #tpu.memory_space<hbm>>
      tpu.enqueue_dma source(%dma_start3A_53 : memref<1600xi32, #tpu.memory_space<hbm>>) target(%arg13 : memref<1600xi32, #tpu.memory_space<vmem>>) target_semaphore(%arg15 : memref<!tpu.dma_semaphore, #tpu.memory_space<semaphore_mem>>)
      %dma_wait3A_54 = arith.constant 0 : i32
      %dma_wait3A_55 = tpu.memref_slice %arg2[%dma_wait3A_54] : memref<320000xi32, #tpu.memory_space<hbm>> -> memref<1600xi32, #tpu.memory_space<hbm>>
      %dma_wait3A_56 = arith.constant 0 : i32
      %dma_wait3A_57 = tpu.memref_slice %arg2[%dma_wait3A_56] : memref<320000xi32, #tpu.memory_space<hbm>> -> memref<1600xi32, #tpu.memory_space<hbm>>
      tpu.wait_dma2 semaphore(%arg14 : memref<!tpu.dma_semaphore, #tpu.memory_space<semaphore_mem>>) src(%dma_wait3A_57 : memref<1600xi32, #tpu.memory_space<hbm>>) dst(%arg10 : memref<1600xi32, #tpu.memory_space<vmem>>)
      %dma_wait3A_58 = arith.constant 0 : i32
      %dma_wait3A_59 = tpu.memref_slice %arg3[%dma_wait3A_58] : memref<320000xi32, #tpu.memory_space<hbm>> -> memref<1600xi32, #tpu.memory_space<hbm>>
      %dma_wait3A_60 = arith.constant 0 : i32
      %dma_wait3A_61 = tpu.memref_slice %arg3[%dma_wait3A_60] : memref<320000xi32, #tpu.memory_space<hbm>> -> memref<1600xi32, #tpu.memory_space<hbm>>
      tpu.wait_dma2 semaphore(%arg14 : memref<!tpu.dma_semaphore, #tpu.memory_space<semaphore_mem>>) src(%dma_wait3A_61 : memref<1600xi32, #tpu.memory_space<hbm>>) dst(%arg11 : memref<1600xi32, #tpu.memory_space<vmem>>)
      %scan3A_62 = arith.constant 0 : i32
      %scan3A_63 = arith.constant 0 : i32
      %scan3A_64 = arith.constant 100 : i32
      %scan3A_65 = arith.addi %scan3A_63, %scan3A_64 : i32
      %scan3A_66 = arith.constant 1 : i32
      %scan3A_67 = scf.for %scan3A_98 = %scan3A_63 to %scan3A_65 step %scan3A_66 iter_args(%scan3A_99 = %scan3A_62) -> (i32)  : i32 {
        %mul3A_100 = arith.constant 16 : i32
        %mul3A_101 = arith.muli %scan3A_98, %mul3A_100 : i32
        %get3A = arith.index_cast %mul3A_101 : i32 to index
        %get3A_102 = tpu.vector_load %arg10[%get3A] {strides = array<i32>} : memref<1600xi32, #tpu.memory_space<vmem>>, vector<16xi32>,
        %mul3A_103 = arith.constant 16 : i32
        %mul3A_104 = arith.muli %scan3A_98, %mul3A_103 : i32
        %get3A_105 = arith.index_cast %mul3A_104 : i32 to index
        %get3A_106 = tpu.vector_load %arg11[%get3A_105] {strides = array<i32>} : memref<1600xi32, #tpu.memory_space<vmem>>, vector<16xi32>,
        %add3A_107 = arith.constant 0 : i32
        %add3A_108 = vector.broadcast %add3A_107 : i32 to vector<16xi32>
        %add3A_109 = arith.addi %get3A_102, %add3A_108 : vector<16xi32>
        %gather3A = tpu.vector_load_idx %arg7[%add3A_109] : memref<40000xf32, #tpu.memory_space<vmem>>[vector<16xi32>], vector<16xf32>,
        %add3A_110 = arith.constant 10000 : i32
        %add3A_111 = vector.broadcast %add3A_110 : i32 to vector<16xi32>
        %add3A_112 = arith.addi %get3A_102, %add3A_111 : vector<16xi32>
        %gather3A_113 = tpu.vector_load_idx %arg7[%add3A_112] : memref<40000xf32, #tpu.memory_space<vmem>>[vector<16xi32>], vector<16xf32>,
        %add3A_114 = arith.constant 20000 : i32
        %add3A_115 = vector.broadcast %add3A_114 : i32 to vector<16xi32>
        %add3A_116 = arith.addi %get3A_102, %add3A_115 : vector<16xi32>
        %gather3A_117 = tpu.vector_load_idx %arg7[%add3A_116] : memref<40000xf32, #tpu.memory_space<vmem>>[vector<16xi32>], vector<16xf32>,
        %add3A_118 = arith.constant 30000 : i32
        %add3A_119 = vector.broadcast %add3A_118 : i32 to vector<16xi32>
        %add3A_120 = arith.addi %get3A_102, %add3A_119 : vector<16xi32>
        %gather3A_121 = tpu.vector_load_idx %arg7[%add3A_120] : memref<40000xf32, #tpu.memory_space<vmem>>[vector<16xi32>], vector<16xf32>,
        %add3A_122 = arith.constant 0 : i32
        %add3A_123 = vector.broadcast %add3A_122 : i32 to vector<16xi32>
        %add3A_124 = arith.addi %get3A_106, %add3A_123 : vector<16xi32>
        tpu.vector_store_idx %arg8[%add3A_124], %gather3A {add = true} : memref<80000xf32, #tpu.memory_space<vmem>>[vector<16xi32>], vector<16xf32>,
        %add3A_125 = arith.constant 20000 : i32
        %add3A_126 = vector.broadcast %add3A_125 : i32 to vector<16xi32>
        %add3A_127 = arith.addi %get3A_106, %add3A_126 : vector<16xi32>
        tpu.vector_store_idx %arg8[%add3A_127], %gather3A_113 {add = true} : memref<80000xf32, #tpu.memory_space<vmem>>[vector<16xi32>], vector<16xf32>,
        %add3A_128 = arith.constant 40000 : i32
        %add3A_129 = vector.broadcast %add3A_128 : i32 to vector<16xi32>
        %add3A_130 = arith.addi %get3A_106, %add3A_129 : vector<16xi32>
        tpu.vector_store_idx %arg8[%add3A_130], %gather3A_117 {add = true} : memref<80000xf32, #tpu.memory_space<vmem>>[vector<16xi32>], vector<16xf32>,
        %add3A_131 = arith.constant 60000 : i32
        %add3A_132 = vector.broadcast %add3A_131 : i32 to vector<16xi32>
        %add3A_133 = arith.addi %get3A_106, %add3A_132 : vector<16xi32>
        tpu.vector_store_idx %arg8[%add3A_133], %gather3A_121 {add = true} : memref<80000xf32, #tpu.memory_space<vmem>>[vector<16xi32>], vector<16xf32>,
        %ge3A = vector.broadcast %mul3A_16 : i32 to vector<16xi32>
        %ge3A_134 = arith.cmpi sge, %get3A_102, %ge3A : vector<16xi32>
        %add3A_135 = arith.constant 313 : i32
        %add3A_136 = arith.addi %mul3A_16, %add3A_135 : i32
        %lt3A = vector.broadcast %add3A_136 : i32 to vector<16xi32>
        %lt3A_137 = arith.cmpi slt, %get3A_102, %lt3A : vector<16xi32>
        %and3A = arith.andi %ge3A_134, %lt3A_137 : vector<16xi1>
        %sub3A = vector.broadcast %mul3A_16 : i32 to vector<16xi32>
        %sub3A_138 = arith.subi %get3A_102, %sub3A : vector<16xi32>
        %jit3A = arith.constant 0 : i32
        %broadcast_in_dim3A_139 = vector.broadcast %jit3A : i32 to vector<16xi32>
        %select_n3A = arith.select %and3A, %sub3A_138, %broadcast_in_dim3A_139 : vector<16xi1>, vector<16xi32>
        tpu.vector_store_idx %arg9[%select_n3A], %broadcast_in_dim3A_18 masked %and3A {add = true} : memref<320xf32, #tpu.memory_space<vmem>>[vector<16xi32>], vector<16xf32>, vector<16xi1>
        %scan3A_140 = arith.constant 0 : i32
        scf.yield %scan3A_140 : i32
      }
      %scan3A_68 = arith.constant 100 : i32
      %mul3A_69 = arith.constant 2 : i32
      %mul3A_70 = arith.muli %mul3A_69, %scan3A_40 : i32
      %add3A_71 = arith.constant 2 : i32
      %add3A_72 = arith.addi %mul3A_70, %add3A_71 : i32
      %min3A = arith.constant 199 : i32
      %min3A_73 = arith.minsi %add3A_72, %min3A : i32
      %mul3A_74 = arith.constant 1600 : i32
      %mul3A_75 = arith.muli %min3A_73, %mul3A_74 : i32
      %dma_start3A_76 = tpu.memref_slice %arg2[%mul3A_75] : memref<320000xi32, #tpu.memory_space<hbm>> -> memref<1600xi32, #tpu.memory_space<hbm>>
      %dma_start3A_77 = tpu.memref_slice %arg2[%mul3A_75] : memref<320000xi32, #tpu.memory_space<hbm>> -> memref<1600xi32, #tpu.memory_space<hbm>>
      tpu.enqueue_dma source(%dma_start3A_77 : memref<1600xi32, #tpu.memory_space<hbm>>) target(%arg10 : memref<1600xi32, #tpu.memory_space<vmem>>) target_semaphore(%arg14 : memref<!tpu.dma_semaphore, #tpu.memory_space<semaphore_mem>>)
      %mul3A_78 = arith.constant 1600 : i32
      %mul3A_79 = arith.muli %min3A_73, %mul3A_78 : i32
      %dma_start3A_80 = tpu.memref_slice %arg3[%mul3A_79] : memref<320000xi32, #tpu.memory_space<hbm>> -> memref<1600xi32, #tpu.memory_space<hbm>>
      %dma_start3A_81 = tpu.memref_slice %arg3[%mul3A_79] : memref<320000xi32, #tpu.memory_space<hbm>> -> memref<1600xi32, #tpu.memory_space<hbm>>
      tpu.enqueue_dma source(%dma_start3A_81 : memref<1600xi32, #tpu.memory_space<hbm>>) target(%arg11 : memref<1600xi32, #tpu.memory_space<vmem>>) target_semaphore(%arg14 : memref<!tpu.dma_semaphore, #tpu.memory_space<semaphore_mem>>)
      %dma_wait3A_82 = arith.constant 0 : i32
      %dma_wait3A_83 = tpu.memref_slice %arg2[%dma_wait3A_82] : memref<320000xi32, #tpu.memory_space<hbm>> -> memref<1600xi32, #tpu.memory_space<hbm>>
      %dma_wait3A_84 = arith.constant 0 : i32
      %dma_wait3A_85 = tpu.memref_slice %arg2[%dma_wait3A_84] : memref<320000xi32, #tpu.memory_space<hbm>> -> memref<1600xi32, #tpu.memory_space<hbm>>
      tpu.wait_dma2 semaphore(%arg15 : memref<!tpu.dma_semaphore, #tpu.memory_space<semaphore_mem>>) src(%dma_wait3A_85 : memref<1600xi32, #tpu.memory_space<hbm>>) dst(%arg12 : memref<1600xi32, #tpu.memory_space<vmem>>)
      %dma_wait3A_86 = arith.constant 0 : i32
      %dma_wait3A_87 = tpu.memref_slice %arg3[%dma_wait3A_86] : memref<320000xi32, #tpu.memory_space<hbm>> -> memref<1600xi32, #tpu.memory_space<hbm>>
      %dma_wait3A_88 = arith.constant 0 : i32
      %dma_wait3A_89 = tpu.memref_slice %arg3[%dma_wait3A_88] : memref<320000xi32, #tpu.memory_space<hbm>> -> memref<1600xi32, #tpu.memory_space<hbm>>
      tpu.wait_dma2 semaphore(%arg15 : memref<!tpu.dma_semaphore, #tpu.memory_space<semaphore_mem>>) src(%dma_wait3A_89 : memref<1600xi32, #tpu.memory_space<hbm>>) dst(%arg13 : memref<1600xi32, #tpu.memory_space<vmem>>)
      %scan3A_90 = arith.constant 0 : i32
      %scan3A_91 = arith.constant 0 : i32
      %scan3A_92 = arith.constant 100 : i32
      %scan3A_93 = arith.addi %scan3A_91, %scan3A_92 : i32
      %scan3A_94 = arith.constant 1 : i32
      %scan3A_95 = scf.for %scan3A_98 = %scan3A_91 to %scan3A_93 step %scan3A_94 iter_args(%scan3A_99 = %scan3A_90) -> (i32)  : i32 {
        %mul3A_100 = arith.constant 16 : i32
        %mul3A_101 = arith.muli %scan3A_98, %mul3A_100 : i32
        %get3A = arith.index_cast %mul3A_101 : i32 to index
        %get3A_102 = tpu.vector_load %arg12[%get3A] {strides = array<i32>} : memref<1600xi32, #tpu.memory_space<vmem>>, vector<16xi32>,
        %mul3A_103 = arith.constant 16 : i32
        %mul3A_104 = arith.muli %scan3A_98, %mul3A_103 : i32
        %get3A_105 = arith.index_cast %mul3A_104 : i32 to index
        %get3A_106 = tpu.vector_load %arg13[%get3A_105] {strides = array<i32>} : memref<1600xi32, #tpu.memory_space<vmem>>, vector<16xi32>,
        %add3A_107 = arith.constant 0 : i32
        %add3A_108 = vector.broadcast %add3A_107 : i32 to vector<16xi32>
        %add3A_109 = arith.addi %get3A_102, %add3A_108 : vector<16xi32>
        %gather3A = tpu.vector_load_idx %arg7[%add3A_109] : memref<40000xf32, #tpu.memory_space<vmem>>[vector<16xi32>], vector<16xf32>,
        %add3A_110 = arith.constant 10000 : i32
        %add3A_111 = vector.broadcast %add3A_110 : i32 to vector<16xi32>
        %add3A_112 = arith.addi %get3A_102, %add3A_111 : vector<16xi32>
        %gather3A_113 = tpu.vector_load_idx %arg7[%add3A_112] : memref<40000xf32, #tpu.memory_space<vmem>>[vector<16xi32>], vector<16xf32>,
        %add3A_114 = arith.constant 20000 : i32
        %add3A_115 = vector.broadcast %add3A_114 : i32 to vector<16xi32>
        %add3A_116 = arith.addi %get3A_102, %add3A_115 : vector<16xi32>
        %gather3A_117 = tpu.vector_load_idx %arg7[%add3A_116] : memref<40000xf32, #tpu.memory_space<vmem>>[vector<16xi32>], vector<16xf32>,
        %add3A_118 = arith.constant 30000 : i32
        %add3A_119 = vector.broadcast %add3A_118 : i32 to vector<16xi32>
        %add3A_120 = arith.addi %get3A_102, %add3A_119 : vector<16xi32>
        %gather3A_121 = tpu.vector_load_idx %arg7[%add3A_120] : memref<40000xf32, #tpu.memory_space<vmem>>[vector<16xi32>], vector<16xf32>,
        %add3A_122 = arith.constant 0 : i32
        %add3A_123 = vector.broadcast %add3A_122 : i32 to vector<16xi32>
        %add3A_124 = arith.addi %get3A_106, %add3A_123 : vector<16xi32>
        tpu.vector_store_idx %arg8[%add3A_124], %gather3A {add = true} : memref<80000xf32, #tpu.memory_space<vmem>>[vector<16xi32>], vector<16xf32>,
        %add3A_125 = arith.constant 20000 : i32
        %add3A_126 = vector.broadcast %add3A_125 : i32 to vector<16xi32>
        %add3A_127 = arith.addi %get3A_106, %add3A_126 : vector<16xi32>
        tpu.vector_store_idx %arg8[%add3A_127], %gather3A_113 {add = true} : memref<80000xf32, #tpu.memory_space<vmem>>[vector<16xi32>], vector<16xf32>,
        %add3A_128 = arith.constant 40000 : i32
        %add3A_129 = vector.broadcast %add3A_128 : i32 to vector<16xi32>
        %add3A_130 = arith.addi %get3A_106, %add3A_129 : vector<16xi32>
        tpu.vector_store_idx %arg8[%add3A_130], %gather3A_117 {add = true} : memref<80000xf32, #tpu.memory_space<vmem>>[vector<16xi32>], vector<16xf32>,
        %add3A_131 = arith.constant 60000 : i32
        %add3A_132 = vector.broadcast %add3A_131 : i32 to vector<16xi32>
        %add3A_133 = arith.addi %get3A_106, %add3A_132 : vector<16xi32>
        tpu.vector_store_idx %arg8[%add3A_133], %gather3A_121 {add = true} : memref<80000xf32, #tpu.memory_space<vmem>>[vector<16xi32>], vector<16xf32>,
        %ge3A = vector.broadcast %mul3A_16 : i32 to vector<16xi32>
        %ge3A_134 = arith.cmpi sge, %get3A_102, %ge3A : vector<16xi32>
        %add3A_135 = arith.constant 313 : i32
        %add3A_136 = arith.addi %mul3A_16, %add3A_135 : i32
        %lt3A = vector.broadcast %add3A_136 : i32 to vector<16xi32>
        %lt3A_137 = arith.cmpi slt, %get3A_102, %lt3A : vector<16xi32>
        %and3A = arith.andi %ge3A_134, %lt3A_137 : vector<16xi1>
        %sub3A = vector.broadcast %mul3A_16 : i32 to vector<16xi32>
        %sub3A_138 = arith.subi %get3A_102, %sub3A : vector<16xi32>
        %jit3A = arith.constant 0 : i32
        %broadcast_in_dim3A_139 = vector.broadcast %jit3A : i32 to vector<16xi32>
        %select_n3A = arith.select %and3A, %sub3A_138, %broadcast_in_dim3A_139 : vector<16xi1>, vector<16xi32>
        tpu.vector_store_idx %arg9[%select_n3A], %broadcast_in_dim3A_18 masked %and3A {add = true} : memref<320xf32, #tpu.memory_space<vmem>>[vector<16xi32>], vector<16xf32>, vector<16xi1>
        %scan3A_140 = arith.constant 0 : i32
        scf.yield %scan3A_140 : i32
      }
      %scan3A_96 = arith.constant 100 : i32
      %scan3A_97 = arith.constant 0 : i32
      scf.yield %scan3A_97 : i32
    }
    %scan3A_32 = arith.constant 100 : i32
    %dma_wait3A = arith.constant 0 : i32
    %dma_wait3A_33 = tpu.memref_slice %arg2[%dma_wait3A] : memref<320000xi32, #tpu.memory_space<hbm>> -> memref<1600xi32, #tpu.memory_space<hbm>>
    %dma_wait3A_34 = arith.constant 0 : i32
    %dma_wait3A_35 = tpu.memref_slice %arg2[%dma_wait3A_34] : memref<320000xi32, #tpu.memory_space<hbm>> -> memref<1600xi32, #tpu.memory_space<hbm>>
    tpu.wait_dma2 semaphore(%arg14 : memref<!tpu.dma_semaphore, #tpu.memory_space<semaphore_mem>>) src(%dma_wait3A_35 : memref<1600xi32, #tpu.memory_space<hbm>>) dst(%arg10 : memref<1600xi32, #tpu.memory_space<vmem>>)
    %dma_wait3A_36 = arith.constant 0 : i32
    %dma_wait3A_37 = tpu.memref_slice %arg3[%dma_wait3A_36] : memref<320000xi32, #tpu.memory_space<hbm>> -> memref<1600xi32, #tpu.memory_space<hbm>>
    %dma_wait3A_38 = arith.constant 0 : i32
    %dma_wait3A_39 = tpu.memref_slice %arg3[%dma_wait3A_38] : memref<320000xi32, #tpu.memory_space<hbm>> -> memref<1600xi32, #tpu.memory_space<hbm>>
    tpu.wait_dma2 semaphore(%arg14 : memref<!tpu.dma_semaphore, #tpu.memory_space<semaphore_mem>>) src(%dma_wait3A_39 : memref<1600xi32, #tpu.memory_space<hbm>>) dst(%arg11 : memref<1600xi32, #tpu.memory_space<vmem>>)
    "tpu.region"() ({
      %run_scoped3A = tpu.sem_alloc : memref<!tpu.dma_semaphore, #tpu.memory_space<semaphore_mem>>
      %dma_start3A_40 = arith.constant 0 : i32
      %dma_start3A_41 = tpu.memref_slice %arg5[%add3A, %dma_start3A_40] : memref<32x80000xf32, #tpu.memory_space<hbm>> -> memref<1x80000xf32, #tpu.memory_space<hbm>>
      %dma_start3A_42 = tpu.memref_squeeze %dma_start3A_41 : memref<1x80000xf32, #tpu.memory_space<hbm>> -> memref<80000xf32, #tpu.memory_space<hbm>>
      %dma_start3A_43 = arith.constant 0 : i32
      %dma_start3A_44 = tpu.memref_slice %arg5[%add3A, %dma_start3A_43] : memref<32x80000xf32, #tpu.memory_space<hbm>> -> memref<1x80000xf32, #tpu.memory_space<hbm>>
      %dma_start3A_45 = tpu.memref_squeeze %dma_start3A_44 : memref<1x80000xf32, #tpu.memory_space<hbm>> -> memref<80000xf32, #tpu.memory_space<hbm>>
      tpu.enqueue_dma source(%arg8 : memref<80000xf32, #tpu.memory_space<vmem>>) target(%dma_start3A_45 : memref<80000xf32, #tpu.memory_space<hbm>>) target_semaphore(%run_scoped3A : memref<!tpu.dma_semaphore, #tpu.memory_space<semaphore_mem>>)
      %dma_wait3A_46 = arith.constant 0 : i32
      %dma_wait3A_47 = tpu.memref_slice %arg5[%add3A, %dma_wait3A_46] : memref<32x80000xf32, #tpu.memory_space<hbm>> -> memref<1x80000xf32, #tpu.memory_space<hbm>>
      %dma_wait3A_48 = tpu.memref_squeeze %dma_wait3A_47 : memref<1x80000xf32, #tpu.memory_space<hbm>> -> memref<80000xf32, #tpu.memory_space<hbm>>
      %dma_wait3A_49 = arith.constant 0 : i32
      %dma_wait3A_50 = tpu.memref_slice %arg5[%add3A, %dma_wait3A_49] : memref<32x80000xf32, #tpu.memory_space<hbm>> -> memref<1x80000xf32, #tpu.memory_space<hbm>>
      %dma_wait3A_51 = tpu.memref_squeeze %dma_wait3A_50 : memref<1x80000xf32, #tpu.memory_space<hbm>> -> memref<80000xf32, #tpu.memory_space<hbm>>
      tpu.wait_dma2 semaphore(%run_scoped3A : memref<!tpu.dma_semaphore, #tpu.memory_space<semaphore_mem>>) src(%arg8 : memref<80000xf32, #tpu.memory_space<vmem>>) dst(%dma_wait3A_51 : memref<80000xf32, #tpu.memory_space<hbm>>)
      tpu.yield
    }) : () -> ()
    "tpu.region"() ({
      %run_scoped3A = tpu.sem_alloc : memref<!tpu.dma_semaphore, #tpu.memory_space<semaphore_mem>>
      %dma_start3A_40 = arith.constant 0 : i32
      %dma_start3A_41 = tpu.memref_slice %arg6[%add3A, %dma_start3A_40] : memref<32x320xf32, #tpu.memory_space<hbm>> -> memref<1x320xf32, #tpu.memory_space<hbm>>
      %dma_start3A_42 = tpu.memref_squeeze %dma_start3A_41 : memref<1x320xf32, #tpu.memory_space<hbm>> -> memref<320xf32, #tpu.memory_space<hbm>>
      %dma_start3A_43 = arith.constant 0 : i32
      %dma_start3A_44 = tpu.memref_slice %arg6[%add3A, %dma_start3A_43] : memref<32x320xf32, #tpu.memory_space<hbm>> -> memref<1x320xf32, #tpu.memory_space<hbm>>
      %dma_start3A_45 = tpu.memref_squeeze %dma_start3A_44 : memref<1x320xf32, #tpu.memory_space<hbm>> -> memref<320xf32, #tpu.memory_space<hbm>>
      tpu.enqueue_dma source(%arg9 : memref<320xf32, #tpu.memory_space<vmem>>) target(%dma_start3A_45 : memref<320xf32, #tpu.memory_space<hbm>>) target_semaphore(%run_scoped3A : memref<!tpu.dma_semaphore, #tpu.memory_space<semaphore_mem>>)
      %dma_wait3A_46 = arith.constant 0 : i32
      %dma_wait3A_47 = tpu.memref_slice %arg6[%add3A, %dma_wait3A_46] : memref<32x320xf32, #tpu.memory_space<hbm>> -> memref<1x320xf32, #tpu.memory_space<hbm>>
      %dma_wait3A_48 = tpu.memref_squeeze %dma_wait3A_47 : memref<1x320xf32, #tpu.memory_space<hbm>> -> memref<320xf32, #tpu.memory_space<hbm>>
      %dma_wait3A_49 = arith.constant 0 : i32
      %dma_wait3A_50 = tpu.memref_slice %arg6[%add3A, %dma_wait3A_49] : memref<32x320xf32, #tpu.memory_space<hbm>> -> memref<1x320xf32, #tpu.memory_space<hbm>>
      %dma_wait3A_51 = tpu.memref_squeeze %dma_wait3A_50 : memref<1x320xf32, #tpu.memory_space<hbm>> -> memref<320xf32, #tpu.memory_space<hbm>>
      tpu.wait_dma2 semaphore(%run_scoped3A : memref<!tpu.dma_semaphore, #tpu.memory_space<semaphore_mem>>) src(%arg9 : memref<320xf32, #tpu.memory_space<vmem>>) dst(%dma_wait3A_51 : memref<320xf32, #tpu.memory_space<hbm>>)
      tpu.yield
    }) : () -> ()
    return
  }
}

module attributes {stable_mosaic.version = 14 : i64} {
  func.func @_mm_t_body(%arg0: memref<10000x128xf32, #tpu.memory_space<vmem>>, %arg1: memref<128x256xf32, #tpu.memory_space<vmem>>, %arg2: memref<256x1xf32, #tpu.memory_space<vmem>>, %arg3: memref<256x10000xf32, #tpu.memory_space<vmem>>) attributes {dimension_semantics = [], scalar_prefetch = 0 : i64, scratch_operands = 0 : i64, tpu.core_type = #tpu.core_type<tc>} {
    %get3A = arith.constant 0 : index
    %get3A_0 = arith.constant 0 : index
    %get3A_1 = vector.load %arg0[%get3A, %get3A_0] : memref<10000x128xf32, #tpu.memory_space<vmem>>, vector<10000x128xf32>
    %get3A_2 = arith.constant 0 : index
    %get3A_3 = arith.constant 0 : index
    %get3A_4 = vector.load %arg1[%get3A_2, %get3A_3] : memref<128x256xf32, #tpu.memory_space<vmem>>, vector<128x256xf32>
    %dot_general3A = arith.constant dense<0.000000e+00> : vector<10000x256xf32>
    %dot_general3A_5 = tpu.matmul %get3A_1, %get3A_4, %dot_general3A {dimension_numbers = #tpu.dot_dimension_numbers<[1], [0], [0], [1], [0, 0, 1, 1], [], []>, transpose_lhs_hint = false} : vector<10000x128xf32>, vector<128x256xf32>, vector<10000x256xf32> -> vector<10000x256xf32>
    %transpose3A = tpu.transpose %dot_general3A_5, [1, 0] : vector<10000x256xf32> -> vector<256x10000xf32>
    %get3A_6 = arith.constant 0 : index
    %get3A_7 = arith.constant 0 : index
    %get3A_8 = vector.load %arg2[%get3A_6, %get3A_7] : memref<256x1xf32, #tpu.memory_space<vmem>>, vector<256x1xf32>
    %add3A = vector.broadcast %get3A_8 : vector<256x1xf32> to vector<256x10000xf32>
    %add3A_9 = arith.addf %transpose3A, %add3A : vector<256x10000xf32>
    %swap3A = arith.constant 0 : index
    %swap3A_10 = arith.constant 0 : index
    %swap3A_11 = vector.load %arg3[%swap3A, %swap3A_10] : memref<256x10000xf32, #tpu.memory_space<vmem>>, vector<256x10000xf32>
    tpu.vector_store %arg3[%swap3A, %swap3A_10], %add3A_9 {strides = array<i32>} : memref<256x10000xf32, #tpu.memory_space<vmem>>, vector<256x10000xf32>,
    return
  }
}

module attributes {stable_mosaic.version = 14 : i64} {
  func.func @_mm_cm_body(%arg0: memref<128x128xf32, #tpu.memory_space<vmem>>, %arg1: memref<128x20000xf32, #tpu.memory_space<vmem>>, %arg2: memref<128x20000xf32, #tpu.memory_space<vmem>>) attributes {dimension_semantics = [], scalar_prefetch = 0 : i64, scratch_operands = 0 : i64, tpu.core_type = #tpu.core_type<tc>} {
    %get3A = arith.constant 0 : index
    %get3A_0 = arith.constant 0 : index
    %get3A_1 = vector.load %arg0[%get3A, %get3A_0] : memref<128x128xf32, #tpu.memory_space<vmem>>, vector<128x128xf32>
    %get3A_2 = arith.constant 0 : index
    %get3A_3 = arith.constant 0 : index
    %get3A_4 = vector.load %arg1[%get3A_2, %get3A_3] : memref<128x20000xf32, #tpu.memory_space<vmem>>, vector<128x20000xf32>
    %dot_general3A = arith.constant dense<0.000000e+00> : vector<128x20000xf32>
    %dot_general3A_5 = tpu.matmul %get3A_1, %get3A_4, %dot_general3A {dimension_numbers = #tpu.dot_dimension_numbers<[1], [0], [0], [1], [0, 0, 1, 1], [], []>, transpose_lhs_hint = false} : vector<128x128xf32>, vector<128x20000xf32>, vector<128x20000xf32> -> vector<128x20000xf32>
    %swap3A = arith.constant 0 : index
    %swap3A_6 = arith.constant 0 : index
    %swap3A_7 = vector.load %arg2[%swap3A, %swap3A_6] : memref<128x20000xf32, #tpu.memory_space<vmem>>, vector<128x20000xf32>
    tpu.vector_store %arg2[%swap3A, %swap3A_6], %dot_general3A_5 {strides = array<i32>} : memref<128x20000xf32, #tpu.memory_space<vmem>>, vector<128x20000xf32>,
    return
  }
}

module attributes {stable_mosaic.version = 14 : i64} {
  func.func @_final_body(%arg0: memref<128x10000xf32, #tpu.memory_space<vmem>>, %arg1: memref<128x10000xf32, #tpu.memory_space<vmem>>, %arg2: memref<10000x128xf32, #tpu.memory_space<vmem>>, %arg3: memref<10000x1xf32, #tpu.memory_space<vmem>>, %arg4: memref<1x128xf32, #tpu.memory_space<vmem>>, %arg5: memref<128x128xf32, #tpu.memory_space<vmem>>, %arg6: memref<1x128xf32, #tpu.memory_space<vmem>>, %arg7: memref<10000x128xf32, #tpu.memory_space<vmem>>) attributes {dimension_semantics = [], scalar_prefetch = 0 : i64, scratch_operands = 0 : i64, tpu.core_type = #tpu.core_type<tc>} {
    %get3A = arith.constant 0 : index
    %get3A_0 = arith.constant 0 : index
    %get3A_1 = vector.load %arg3[%get3A, %get3A_0] : memref<10000x1xf32, #tpu.memory_space<vmem>>, vector<10000x1xf32>
    %get3A_2 = arith.constant 0 : index
    %get3A_3 = arith.constant 0 : index
    %get3A_4 = vector.load %arg0[%get3A_2, %get3A_3] : memref<128x10000xf32, #tpu.memory_space<vmem>>, vector<128x10000xf32>
    %transpose3A = tpu.transpose %get3A_4, [1, 0] : vector<128x10000xf32> -> vector<10000x128xf32>
    %get3A_5 = arith.constant 0 : index
    %get3A_6 = arith.constant 0 : index
    %get3A_7 = vector.load %arg4[%get3A_5, %get3A_6] : memref<1x128xf32, #tpu.memory_space<vmem>>, vector<1x128xf32>
    %add3A = vector.broadcast %get3A_7 : vector<1x128xf32> to vector<10000x128xf32>
    %add3A_8 = arith.addf %transpose3A, %add3A : vector<10000x128xf32>
    %mul3A = vector.broadcast %get3A_1 : vector<10000x1xf32> to vector<10000x128xf32>
    %mul3A_9 = arith.mulf %mul3A, %add3A_8 : vector<10000x128xf32>
    %get3A_10 = arith.constant 0 : index
    %get3A_11 = arith.constant 0 : index
    %get3A_12 = vector.load %arg1[%get3A_10, %get3A_11] : memref<128x10000xf32, #tpu.memory_space<vmem>>, vector<128x10000xf32>
    %transpose3A_13 = tpu.transpose %get3A_12, [1, 0] : vector<128x10000xf32> -> vector<10000x128xf32>
    %add3A_14 = arith.addf %mul3A_9, %transpose3A_13 : vector<10000x128xf32>
    %mul3A_15 = arith.constant 5.000000e-01 : f32
    %mul3A_16 = vector.broadcast %mul3A_15 : f32 to vector<10000x128xf32>
    %mul3A_17 = arith.mulf %mul3A_16, %add3A_14 : vector<10000x128xf32>
    %get3A_18 = arith.constant 0 : index
    %get3A_19 = arith.constant 0 : index
    %get3A_20 = vector.load %arg2[%get3A_18, %get3A_19] : memref<10000x128xf32, #tpu.memory_space<vmem>>, vector<10000x128xf32>
    %mul3A_21 = arith.constant 5.000000e-01 : f32
    %mul3A_22 = vector.broadcast %mul3A_21 : f32 to vector<10000x128xf32>
    %mul3A_23 = arith.mulf %mul3A_22, %get3A_20 : vector<10000x128xf32>
    %add3A_24 = arith.addf %mul3A_17, %mul3A_23 : vector<10000x128xf32>
    %get3A_25 = arith.constant 0 : index
    %get3A_26 = arith.constant 0 : index
    %get3A_27 = vector.load %arg5[%get3A_25, %get3A_26] : memref<128x128xf32, #tpu.memory_space<vmem>>, vector<128x128xf32>
    %dot_general3A = arith.constant dense<0.000000e+00> : vector<10000x128xf32>
    %dot_general3A_28 = tpu.matmul %add3A_24, %get3A_27, %dot_general3A {dimension_numbers = #tpu.dot_dimension_numbers<[1], [0], [0], [1], [0, 0, 1, 1], [], []>, transpose_lhs_hint = false} : vector<10000x128xf32>, vector<128x128xf32>, vector<10000x128xf32> -> vector<10000x128xf32>
    %get3A_29 = arith.constant 0 : index
    %get3A_30 = arith.constant 0 : index
    %get3A_31 = vector.load %arg6[%get3A_29, %get3A_30] : memref<1x128xf32, #tpu.memory_space<vmem>>, vector<1x128xf32>
    %add3A_32 = vector.broadcast %get3A_31 : vector<1x128xf32> to vector<10000x128xf32>
    %add3A_33 = arith.addf %dot_general3A_28, %add3A_32 : vector<10000x128xf32>
    %swap3A = arith.constant 0 : index
    %swap3A_34 = arith.constant 0 : index
    %swap3A_35 = vector.load %arg7[%swap3A, %swap3A_34] : memref<10000x128xf32, #tpu.memory_space<vmem>>, vector<10000x128xf32>
    tpu.vector_store %arg7[%swap3A, %swap3A_34], %add3A_33 {strides = array<i32>} : memref<10000x128xf32, #tpu.memory_space<vmem>>, vector<10000x128xf32>,
    return
  }
}

</mosaic_0001>

<sc_bundles>
// kernel: kernel.10.cloned.1.call-start
scs
__scs_entry_jumppad:
0x0: {  	(pc) =	sbr.rel $0x88, $3  }
0x1: {  	(tag) =	ssettag $0x0;
	lr =	simm.s32 $0x1  }
0x2: {  	[smem:$0x3F98] =	sst lr;
	_ =	strace $0xD0000000  }
0x3: {  	_ = 	snop  }
0x4: {  	_ = 	snop  }
0x5: {  	_ = 	snop  }
0x6: {  	_ = 	snop  }
0x7: {  	_ = 	snop  }
__scs_overlays_trampoline_lowered:
0x8: {  	[smem:$0x3FA7] =	sst s0  }
0x9: {  	[smem:$0x3FA8] =	sst s1  }
0xa: {  	[smem:$0x3FA9] =	sst s2  }
0xb: {  	[smem:$0x3FAA] =	sst s3  }
0xc: {  	[smem:$0x3FAB] =	sst s4  }
0xd: {  	[smem:$0x3FAC] =	sst s5  }
0xe: {  	[smem:$0x3FAD] =	sst s6  }
0xf: {  	[smem:$0x3FAE] =	sst s7  }
0x10: {  	[smem:$0x3FAF] =	sst s8  }
0x11: {  	[smem:$0x3FB0] =	sst s9;
	s0 =	simm.s32 @!p0 $0x0  }
0x12: {  	s1 =	sld [smem:$0x3F96];
	s0 =	simm.s32 @p0 $0x1  }
0x13: {  	[smem:$0x3FB1] =	sst s0;
	s0 =	simm.s32 @!p1 $0x0  }
0x14: {  	s2 =	sld [smem:$0x3F95];
	s0 =	simm.s32 @p1 $0x1  }
0x15: {  	[smem:$0x3FB2] =	sst s0;
	s0 =	simm.s32 @!p2 $0x0  }
0x16: {  	s3 =	sld [smem:$0x3FDB];
	s0 =	simm.s32 @p2 $0x1  }
0x17: {  	s4 =	simm.s32 $0x1BF5;
	[smem:$0x3FB4] =	sst s0  }
0x18: {  	s0 =	sld [smem:$0x3F97];
	_ =	swait.ge [sflag:s4], $0x0  }
0x19: {  	s7 =	sld [smem:$0x3F98]  }
0x1a: {  	s8 =	sadd.s32 $0xFFFFE003, lr  }
0x1b: {  	s9 =	sadd.s32 $0xFFFFFEF7, lr;
	s5 =	simm.s32 $0xFFFFFFFF;
	p2 =	slt.u32 s8, $0xFFFFF086  }
0x1c: {  	p1 =	slt.u32 s9, $0xF7A;
	s5 =	simm.s32 @!p2 $0x0  }
0x1d: {  	s5 =	simm.s32 @p1 $0x1;
	p0 =	seq.s32 s7, s2  }
0x1e: {  	s7 =	smul.u32 @!p0 $0xF7A, s2;
	p2 =	seq.s32 @!p0 s5, $0x0  }
0x1f: {  	s9 =	smul.u32 $0xF7A, s1;
	s8 =	simm.s32 @!p0 $0x1BF5;
	p2 =	por !p2, p0  }
0x20: {  	[sflag:s8] =	ssyncset.s32 @!p0 $0xFFFFF086;
	s6 =	sadd.s32 @!p0 s3, s7;
	s7 =	simm.s32 @!p0 $0x108  }
0x21: {  	s3 =	sadd.s32 s3, s9;
	s6 =	sadd.s32 @!p0 $0x88, s6;
	s7 =	simm.s32 @p2 $0x1082  }
0x22: {  	[simem:s7], [sflag:s8] =	dma.local @!p0 [hbm:s6], $0xF7A  }
0x23: {  	s9 =	sor.u32 $0xD0000000, s2;
	s6 =	simm.s32 $0x108;
	_ =	swait.ge @!p0 [sflag:s8], $0x0  }
0x24: {  	s3 =	sadd.s32 $0x88, s3;
	s6 =	simm.s32 @!p1 $0x1082;
	[sflag:s4] =	ssyncset.s32 $0xFFFFF086  }
0x25: {  	[simem:s6], [sflag:s4] =	dma.local [hbm:s3], $0xF7A  }
0x26: {  	[smem:$0x3F98] =	sst s1;
	(tag) =	ssettag s2;
	_ =	strace s9  }
0x27: {  	s1 =	sld [smem:$0x3FA8]  }
0x28: {  	s2 =	sld [smem:$0x3FA9]  }
0x29: {  	s4 =	sld [smem:$0x3FAB]  }
0x2a: {  	p0 =	seq.s32 s5, $0x0;
	s5 =	sld [smem:$0x3FAC]  }
0x2b: {  	s6 =	sld [smem:$0x3FAD]  }
0x2c: {  	s7 =	sld [smem:$0x3FAE]  }
0x2d: {  	s3 =	simm.s32 $0x108;
	s8 =	sld [smem:$0x3FAF]  }
0x2e: {  	s3 =	simm.s32 @!p0 $0x1082;
	s9 =	sld [smem:$0x3FB0]  }
0x2f: {  	lr =	sadd.s32 s0, s3;
	s0 =	sld [smem:$0x3FA7]  }
0x30: {  	s3 =	sld [smem:$0x3FAA]  }
0x31: {  	[smem:$0x3FB3] =	sst s10  }
0x32: {  	s10 =	sld [smem:$0x3FB1];
	_ =	sdelay $0x3  }
0x33: {  	p0 =	seq.s32 s10, $0x1;
	s10 =	sld [smem:$0x3FB3];
	_ =	sdelay $0x3  }
0x34: {  	[smem:$0x3FB3] =	sst s10  }
0x35: {  	s10 =	sld [smem:$0x3FB2];
	_ =	sdelay $0x3  }
0x36: {  	p1 =	seq.s32 s10, $0x1;
	s10 =	sld [smem:$0x3FB3];
	_ =	sdelay $0x3  }
0x37: {  	[smem:$0x3FB3] =	sst s10  }
0x38: {  	s10 =	sld [smem:$0x3FB4]  }
0x39: {  	_ = 	snop;
	(pc) =	sbr.ind lr, $3  }
0x3a: {  	_ = 	snop  }
0x3b: {  	_ = 	snop  }
0x3c: {  	p2 =	seq.s32 s10, $0x1;
	s10 =	sld [smem:$0x3FB3]  }
0x3d: {  	_ =	shalt  }
0x3e: {  	_ =	shalt  }
0x3f: {  	_ =	shalt  }
0x40: {  	_ =	shalt  }
0x41: {  	_ =	shalt  }
0x42: {  	_ =	shalt  }
0x43: {  	_ =	shalt  }
0x44: {  	_ =	shalt  }
0x45: {  	_ =	shalt  }
0x46: {  	_ =	shalt  }
0x47: {  	_ =	shalt  }
0x48: {  	_ =	shalt  }
0x49: {  	_ =	shalt  }
0x4a: {  	_ =	shalt  }
0x4b: {  	_ =	shalt  }
0x4c: {  	_ =	shalt  }
0x4d: {  	_ =	shalt  }
0x4e: {  	_ =	shalt  }
0x4f: {  	_ =	shalt  }
0x50: {  	_ =	shalt  }
0x51: {  	_ =	shalt  }
0x52: {  	_ =	shalt  }
0x53: {  	_ =	shalt  }
0x54: {  	_ =	shalt  }
0x55: {  	_ =	shalt  }
0x56: {  	_ =	shalt  }
0x57: {  	_ =	shalt  }
0x58: {  	_ =	shalt  }
0x59: {  	_ =	shalt  }
0x5a: {  	_ =	shalt  }
0x5b: {  	_ =	shalt  }
0x5c: {  	_ =	shalt  }
0x5d: {  	_ =	shalt  }
0x5e: {  	_ =	shalt  }
0x5f: {  	_ =	shalt  }
0x60: {  	_ =	shalt  }
0x61: {  	_ =	shalt  }
0x62: {  	_ =	shalt  }
0x63: {  	_ =	shalt  }
0x64: {  	_ =	shalt  }
0x65: {  	_ =	shalt  }
0x66: {  	_ =	shalt  }
0x67: {  	_ =	shalt  }
0x68: {  	_ =	shalt  }
0x69: {  	_ =	shalt  }
0x6a: {  	_ =	shalt  }
0x6b: {  	_ =	shalt  }
0x6c: {  	_ =	shalt  }
0x6d: {  	_ =	shalt  }
0x6e: {  	_ =	shalt  }
0x6f: {  	_ =	shalt  }
0x70: {  	_ =	shalt  }
0x71: {  	_ =	shalt  }
0x72: {  	_ =	shalt  }
0x73: {  	_ =	shalt  }
0x74: {  	_ =	shalt  }
0x75: {  	_ =	shalt  }
0x76: {  	_ =	shalt  }
0x77: {  	_ =	shalt  }
0x78: {  	_ =	shalt  }
0x79: {  	_ =	shalt  }
0x7a: {  	_ =	shalt  }
0x7b: {  	_ =	shalt  }
0x7c: {  	_ =	shalt  }
0x7d: {  	_ =	shalt  }
0x7e: {  	_ =	shalt  }
0x7f: {  	_ =	shalt  }
0x80: {  	_ =	shalt  }
0x81: {  	_ =	shalt  }
0x82: {  	_ =	shalt  }
0x83: {  	_ =	shalt  }
0x84: {  	_ =	shalt  }
0x85: {  	_ =	shalt  }
0x86: {  	_ =	shalt  }
0x87: {  	_ =	shalt  }
.Lfunc_end0:
.L_simem_size_0:
called_computation.1_lowered:
.L_overlay_start_0:
0x88: {  	s2 =	sld [smem:$0x3FD9]  }
0x89: {  	s3 =	sld [smem:$0x3FFE];
	_ =	sdelay $0x1  }
0x8a: {  	s1 =	srdreg.scid  }
0x8b: {  	s0 =	sand.u32 $0x1, s1  }
0x8c: {  	s17 =	sshll.u32 s0, $0xA;
	s2 =	sadd.s32 s3, s2  }
0x8d: {  	s2 =	sadd.s32 s2, s17  }
0x8e: {  	[smem:$0x3FBF] =	sst s2  }
0x8f: {  	_ = 	snop  }
0x90: {  	s2 =	sld [smem:$0x3FC8]  }
0x91: {  	s18 =	sld [smem:$0x3FC7];
	(tm) =	ssettm $0x1  }
0x92: {  	s4 =	sld [smem:$0x3FFB];
	_ =	sdelay $0x3  }
0x93: {  	_ =	strace s4  }
0x94: {  	s4 =	sld [smem:$0x3FFC];
	_ =	sdelay $0x3  }
0x95: {  	_ =	strace s4  }
0x96: {  	s4 =	sld [smem:$0x3FFD];
	_ =	sdelay $0x3  }
0x97: {  	_ =	strace s4  }
0x98: {  	_ =	strace $0x8FFFFFFF  }
0x99: {  	s19 =	sld [smem:$0x3FDB];
	_ =	sdelay $0x1  }
0x9a: {  	s5 =	simm.s32 $_scs_section_size  }
0x9b: {  	s6 =	simm.s32 $_size__tile_overlayer_lowered;
	s7 =	simm.s32 $_tile_overlayer_lowered  }
0x9c: {  	s22 =	simm.s32 $0x1BFF;
	s21 =	sshll.u32 s7, $0x1;
	s4 =	sadd.s32 s5, s19  }
0x9d: {  	s8 =	simm.s32 $0x0;
	s20 =	sshll.u32 s6, $0x1;
	s6 =	sadd.s32 s21, s4  }
0x9e: {  	[timem:s8], [sflag:s22] =	dma.local [hbm:s6], s20  }
0x9f: {  	_ =	swait.ge [sflag:s22], s20  }
0xa0: {  	s5 =	ssub.s32 $0x0, s20;
	[sflag:s22] =	ssyncset.done $0x0  }
0xa1: {  	[sflag:s22] =	ssyncadd.s32 s5;
	_ =	sdelay $0x1  }
0xa2: {  	s23 =	simm.s32 $0x1B8B  }
0xa3: {  	_ =	swait.ge [sflag:s23], $0x1  }
0xa4: {  	[sflag:s23] =	ssyncset.done $0x0  }
0xa5: {  	s25 =	simm.s32 $0x1B8E;
	s24 =	sld [smem:$0x3FFE];
	[sflag:s23] =	ssyncadd.s32 $0xFFFFFFFF  }
0xa6: {  	s26 =	simm.s32 $execute0_lowered;
	[smem:$0x3FD2] =	sst s25  }
0xa7: {  	s6 =	sshll.u32 s26, $0x1;
	_ =	strace $0x80000049;
	[dreg:$0x1] =	wrdreg $0xFFFFFFFF  }
0xa8: {  	s28 =	simm.s32 $_size_execute0_lowered;
	s4 =	sadd.s32 s4, s6;
	[dreg:$0x0] =	wrdreg $0x0  }
0xa9: {  	s6 =	sshll.u32 s28, $0x1;
	[dreg:$0x2] =	wrdreg s4  }
0xaa: {  	[dreg:$0x3] =	wrdreg s6  }
0xab: {  	[dreg:$0x4] =	wrdreg $0xC0  }
0xac: {  	_ =	task [dreg:s8], $0x5FFFF  }
0xad: {  	[dreg:$0x1] =	wrdreg $0xFFFFFFFF  }
0xae: {  	[dreg:$0x0] =	wrdreg $0x60  }
0xaf: {  	[dreg:$0x2] =	wrdreg s18  }
0xb0: {  	[dreg:$0x3] =	wrdreg s2  }
0xb1: {  	[dreg:$0x4] =	wrdreg s24  }
0xb2: {  	[dreg:$0x5] =	wrdreg $0x9  }
0xb3: {  	_ =	task.clear_ibuf [dreg:s8], $0x6FFFF;
	_ =	strace $0x90000049  }
0xb4: {  	s29 =	simm.s32 $0x9;
	_ =	strace $0x8000004B  }
0xb5: {  	_ =	swait.ge [sflag:s29], $0x1  }
0xb6: {  	[sflag:s29] =	ssyncadd.s32 $0xFFFFFFFF  }
0xb7: {  	_ =	strace $0x9000004B  }
0xb8: {  	_ =	sfence  }
0xb9: {  	s30 =	sld [smem:$0x0];
	_ =	sdelay $0x2  }
0xba: {  	s31 =	sshll.u32 s1, $0xD;
	s1 =	sshrl.u32 s1, $0x2  }
0xbb: {  	s3 =	sand.u32 $0x4000, s31;
	s1 =	sadd.s32 s1, s30  }
0xbc: {  	s0 =	sor.u32 s3, s0;
	s1 =	sshll.u32 s1, $0x11  }
0xbd: {  	s0 =	sor.u32 s1, s0  }
0xbe: {  	s0 =	sadd.s32 $0x8F2B, s0  }
0xbf: {  	[sflag:s0] =	ssyncadd.remote.s32 $0x1  }
0xc0: {  	_ =	sfence.sel $0xFFFF  }
0xc1: {  	[dreg:$0x0] =	wrdreg $0xFFFFFFFF;
	(pc) =	sbr.abs _section_cstart, $3  }
0xc2: {  	[dreg:$0x1] =	wrdreg $0xFFFFFFFF  }
0xc3: {  	_ =	task.clear_ibuf [dreg:s8], $0x2FFFF;
	_ =	strace $0x9FFFFFFF  }
0xc4: {  	(tm) =	ssettm $0x7FFFFFFF  }
0xc5: {  	_ =	shalt  }
tec
execute0_lowered:
.L_overlay_start_1:
0x0: {  	(tag) =	ssettag $0x1  }
0x1: {  	s2 =	rddreg [dreg:$0x0]  }
0x2: {  	s3 =	rddreg [dreg:$0x1]  }
0x3: {  	s5 =	rddreg [dreg:$0x2]  }
0x4: {  	s0 =	rddreg [dreg:$0x3];
	s1 =	stileid.u32  }
0x5: {  	s4 =	simm.s32 $0x0;
	s6 =	srdreg.scid;
	s11 =	simm.s32 $0x1D500  }
0x6: {  	s12 =	simm.s32 $0x1DB80;
	s13 =	simm.s32 $0x1E200;
	s14 =	simm.s32 $0x1E880  }
0x7: {  	s15 =	simm.s32 $0x1;
	s16 =	simm.s32 $0x13880;
	s17 =	simm.s32 $0x2  }
0x8: {  	s18 =	simm.s32 $0x0;
	s23 =	simm.s32 $0x0;
	s7 =	sshrl.u32 s1, $0x2  }
0x9: {  	s6 =	sand.u32 $0x1, s6;
	s8 =	sshll.u32 s1, $0x8;
	[smem:$0x7FF] =	sst s4  }
0xa: {  	s9 =	smul.u32 $0x9C400, s7;
	s10 =	sshll.u32 s6, $0x7;
	s8 =	sand.u32 $0x300, s8  }
0xb: {  	s7 =	smul.u32 $0x4E400, s7;
	s6 =	ssub.s32 $0x2, s6;
	s8 =	sor.u32 s10, s8  }
0xc: {  	_ =	strace $0x8000004A;
	s30 =	sshrl.u32 s6, $0x1;
	s9 =	sor.u32 s9, s8  }
0xd: {  	s10 =	simm.s32 $0x3;
	s7 =	sor.u32 s7, s8;
	s29 =	sshrl.u32 s9, $0x3  }
0xe: {  	s31 =	ssub.s32 s6, s30;
	s7 =	sshrl.u32 s7, $0x3;
	s8 =	sadd.s32 s29, s5  }
0xf: {  	s9 =	simm.s32 $0x400;
	s7 =	sadd.s32 s7, s5;
	s5 =	sadd.s32 $0x2200, s8  }
0x10: {  	v0 =	vimm.f32 $0.0e+00;
	s6 =	sadd.s32 $0x50400, s7;
	s7 =	smax.u32 s31, $0x1;
	s8 =	simm.s32 $0x80  }
.LBB2_1:
0x11: {  	[tilespmem:s4], [sflag:$0x3] =	stream.strided.gather [hbm4b:s5+s8], $0x13880, s9, s8, $0x38;
	[tilespmem:$0x1EF00] =	vst v63  }
0x12: {  	_ =	swait.ge [sflag:s10], $0x13880  }
0x13: {  	[sflag:s10] =	ssyncset.done $0x0  }
0x14: {  	s19 =	simm.s32 $0x40;
	s20 =	simm.s32 $0x0;
	[sflag:s10] =	ssyncadd.s32 $0xFFFEC780  }
.LBB2_2:
0x15: {  	p0 =	sne.s32 s19, $0x270C0;
	[tilespmem:s20+$0x13880] =	vst v0;
	s20 =	smov.u32 s19;
	s19 =	sadd.s32 $0x40, s19  }
.Ltmp0:
0x16: {  	(pc) =	sbr.rel @p0 .LBB2_2-.Ltmp0, $2  }
0x17: {  	_ =	sdelay $0x2  }
0x18: {  	s20 =	sshra.s32 s20, $0x2  }
0x19: {  	[tilespmem:s20+$0x13880] =	vst v0;
	s19 =	simm.s32 $0x0  }
0x1a: {  	[tilespmem:s11], [sflag:$0x1] =	stream.linear.gather [hbm4b:s2+s19], $0x640, $0x38;
	[tilespmem:$0x1EF00] =	vst v63  }
0x1b: {  	s20 =	simm.s32 $0x0  }
0x1c: {  	[tilespmem:s12], [sflag:$0x1] =	stream.linear.gather [hbm4b:s3+s19], $0x640, $0x38;
	[tilespmem:$0x1EF00] =	vst v63  }
.LBB2_4:
0x1d: {  	s21 =	smul.u32 $0xC80, s20;
	_ =	sdelay $0x1  }
0x1e: {  	s21 =	sshrl.u32 s21, $0x3  }
0x1f: {  	s21 =	sadd.s32 $0xC8, s21  }
0x20: {  	s22 =	sadd.s32 s2, s21  }
0x21: {  	[tilespmem:s13], [sflag:$0x2] =	stream.linear.gather [hbm4b:s22+s19], $0x640, $0x38;
	[tilespmem:$0x1EF00] =	vst v63  }
0x22: {  	s21 =	sadd.s32 s3, s21  }
0x23: {  	[tilespmem:s14], [sflag:$0x2] =	stream.linear.gather [hbm4b:s21+s19], $0x640, $0x38;
	[tilespmem:$0x1EF00] =	vst v63  }
0x24: {  	_ =	swait.ge [sflag:s15], $0x640  }
0x25: {  	[sflag:s15] =	ssyncset.done $0x0  }
0x26: {  	[sflag:s15] =	ssyncadd.s32 $0xFFFFF9C0  }
0x27: {  	_ =	swait.ge [sflag:s15], $0x640  }
0x28: {  	[sflag:s15] =	ssyncset.done $0x0  }
0x29: {  	s31 =	simm.s32 $0x0;
	[sflag:s15] =	ssyncadd.s32 $0xFFFFF9C0  }
0x2a: {  	v2 =	vld [tilespmem:s31+$0x1D500]  }
0x2b: {  	s21 =	simm.s32 $0x40;
	v1 =	vld [tilespmem:s31+$0x1DB80]  }
.LBB2_5:
0x2c: {  	p0 =	sne.s32 s21, $0x18C0;
	_ =	sdelay $0x2  }
0x2d: {  	v3 =	vadd.s32 $0x4E20, v2  }
0x2e: {  	v4 =	vadd.s32 $0x9C40, v2;
	v5 =	vadd.s32 $0x2710, v1  }
0x2f: {  	v6 =	vadd.s32 $0xEA60, v2;
	_ =	sdelay $0x1  }
0x30: {  	v2 =	vld.idx.msk [tilespmem:v2+s4+$0x0], $0xffff  }
0x31: {  	v3 =	vld.idx.msk [tilespmem:v3+s4+$0x0], $0xffff  }
0x32: {  	v4 =	vld.idx.msk [tilespmem:v4+s4+$0x0], $0xffff  }
0x33: {  	v7 =	vadd.s32 $0x4E20, v1;
	v6 =	vld.idx.msk [tilespmem:v6+s4+$0x0], $0xffff  }
0x34: {  	v8 =	vadd.s32 $0x7530, v1;
	_ =	sdelay $0x1  }
0x35: {  	[tilespmem:v1+s16+$0x0] =	vst.idx.add.f32.msk $0xffff, v2  }
.Ltmp1:
0x36: {  	[tilespmem:v5+s16+$0x0] =	vst.idx.add.f32.msk $0xffff, v3;
	(pc) =	sbr.rel @p0 .LBB2_5-.Ltmp1, $4  }
0x37: {  	[tilespmem:v7+s16+$0x0] =	vst.idx.add.f32.msk $0xffff, v4  }
0x38: {  	s22 =	sshra.s32 s21, $0x2;
	[tilespmem:v8+s16+$0x0] =	vst.idx.add.f32.msk $0xffff, v6  }
0x39: {  	v2 =	vld [tilespmem:s22+$0x1D500]  }
0x3a: {  	s21 =	sadd.s32 $0x40, s21;
	v1 =	vld [tilespmem:s22+$0x1DB80]  }
0x3b: {  	_ =	sdelay $0x2  }
0x3c: {  	v3 =	vadd.s32 $0x4E20, v2  }
0x3d: {  	v4 =	vadd.s32 $0x9C40, v2  }
0x3e: {  	v5 =	vadd.s32 $0xEA60, v2;
	_ =	sdelay $0x1  }
0x3f: {  	v2 =	vld.idx.msk [tilespmem:v2+s4+$0x0], $0xffff  }
0x40: {  	v6 =	vadd.s32 $0x2710, v1;
	v3 =	vld.idx.msk [tilespmem:v3+s4+$0x0], $0xffff  }
0x41: {  	s21 =	sshll.u32 s20, $0x1;
	v7 =	vadd.s32 $0x4E20, v1;
	v4 =	vld.idx.msk [tilespmem:v4+s4+$0x0], $0xffff  }
0x42: {  	s21 =	smin.u32 s21, $0xC5;
	v8 =	vadd.s32 $0x7530, v1;
	v5 =	vld.idx.msk [tilespmem:v5+s4+$0x0], $0xffff  }
0x43: {  	s21 =	smul.u32 $0x640, s21  }
0x44: {  	[tilespmem:v1+s16+$0x0] =	vst.idx.add.f32.msk $0xffff, v2  }
0x45: {  	s21 =	sshrl.u32 s21, $0x3;
	[tilespmem:v6+s16+$0x0] =	vst.idx.add.f32.msk $0xffff, v3  }
0x46: {  	s21 =	sadd.s32 $0x190, s21;
	[tilespmem:v7+s16+$0x0] =	vst.idx.add.f32.msk $0xffff, v4  }
0x47: {  	s22 =	sadd.s32 s2, s21;
	[tilespmem:v8+s16+$0x0] =	vst.idx.add.f32.msk $0xffff, v5  }
0x48: {  	[tilespmem:s11], [sflag:$0x1] =	stream.linear.gather [hbm4b:s22+s23], $0x640, $0x38;
	[tilespmem:$0x1EF00] =	vst v63  }
0x49: {  	s21 =	sadd.s32 s3, s21  }
0x4a: {  	[tilespmem:s12], [sflag:$0x1] =	stream.linear.gather [hbm4b:s21+s23], $0x640, $0x38;
	[tilespmem:$0x1EF00] =	vst v63  }
0x4b: {  	_ =	swait.ge [sflag:s17], $0x640  }
0x4c: {  	[sflag:s17] =	ssyncset.done $0x0  }
0x4d: {  	[sflag:s17] =	ssyncadd.s32 $0xFFFFF9C0  }
0x4e: {  	_ =	swait.ge [sflag:s17], $0x640  }
0x4f: {  	[sflag:s17] =	ssyncset.done $0x0  }
0x50: {  	s31 =	simm.s32 $0x0;
	[sflag:s17] =	ssyncadd.s32 $0xFFFFF9C0  }
0x51: {  	v2 =	vld [tilespmem:s31+$0x1E200]  }
0x52: {  	s21 =	simm.s32 $0x40;
	v1 =	vld [tilespmem:s31+$0x1E880]  }
.LBB2_7:
0x53: {  	p0 =	sne.s32 s21, $0x18C0;
	_ =	sdelay $0x2  }
0x54: {  	v3 =	vadd.s32 $0x4E20, v2  }
0x55: {  	v4 =	vadd.s32 $0x9C40, v2;
	v5 =	vadd.s32 $0x2710, v1  }
0x56: {  	v6 =	vadd.s32 $0xEA60, v2;
	_ =	sdelay $0x1  }
0x57: {  	v2 =	vld.idx.msk [tilespmem:v2+s4+$0x0], $0xffff  }
0x58: {  	v3 =	vld.idx.msk [tilespmem:v3+s4+$0x0], $0xffff  }
0x59: {  	v4 =	vld.idx.msk [tilespmem:v4+s4+$0x0], $0xffff  }
0x5a: {  	v7 =	vadd.s32 $0x4E20, v1;
	v6 =	vld.idx.msk [tilespmem:v6+s4+$0x0], $0xffff  }
0x5b: {  	v8 =	vadd.s32 $0x7530, v1;
	_ =	sdelay $0x1  }
0x5c: {  	[tilespmem:v1+s16+$0x0] =	vst.idx.add.f32.msk $0xffff, v2  }
.Ltmp2:
0x5d: {  	[tilespmem:v5+s16+$0x0] =	vst.idx.add.f32.msk $0xffff, v3;
	(pc) =	sbr.rel @p0 .LBB2_7-.Ltmp2, $4  }
0x5e: {  	[tilespmem:v7+s16+$0x0] =	vst.idx.add.f32.msk $0xffff, v4  }
0x5f: {  	s22 =	sshra.s32 s21, $0x2;
	[tilespmem:v8+s16+$0x0] =	vst.idx.add.f32.msk $0xffff, v6  }
0x60: {  	v2 =	vld [tilespmem:s22+$0x1E200]  }
0x61: {  	s21 =	sadd.s32 $0x40, s21;
	v1 =	vld [tilespmem:s22+$0x1E880]  }
0x62: {  	_ =	sdelay $0x2  }
0x63: {  	v3 =	vadd.s32 $0x4E20, v2  }
0x64: {  	v4 =	vadd.s32 $0x9C40, v2  }
0x65: {  	v5 =	vadd.s32 $0xEA60, v2;
	_ =	sdelay $0x1  }
0x66: {  	v2 =	vld.idx.msk [tilespmem:v2+s4+$0x0], $0xffff  }
0x67: {  	v6 =	vadd.s32 $0x2710, v1;
	v3 =	vld.idx.msk [tilespmem:v3+s4+$0x0], $0xffff  }
0x68: {  	s20 =	sadd.s32 $0x1, s20;
	v7 =	vadd.s32 $0x4E20, v1;
	v4 =	vld.idx.msk [tilespmem:v4+s4+$0x0], $0xffff  }
0x69: {  	p0 =	sne.s32 s20, $0x64;
	v8 =	vadd.s32 $0x7530, v1;
	v5 =	vld.idx.msk [tilespmem:v5+s4+$0x0], $0xffff  }
.Ltmp3:
0x6a: {  	_ = 	snop;
	(pc) =	sbr.rel @p0 .LBB2_4-.Ltmp3, $4  }
0x6b: {  	[tilespmem:v1+s16+$0x0] =	vst.idx.add.f32.msk $0xffff, v2  }
0x6c: {  	[tilespmem:v6+s16+$0x0] =	vst.idx.add.f32.msk $0xffff, v3  }
0x6d: {  	[tilespmem:v7+s16+$0x0] =	vst.idx.add.f32.msk $0xffff, v4  }
0x6e: {  	[tilespmem:v8+s16+$0x0] =	vst.idx.add.f32.msk $0xffff, v5  }
0x6f: {  	_ =	swait.ge [sflag:s15], $0x640  }
0x70: {  	[sflag:s15] =	ssyncset.done $0x0  }
0x71: {  	[sflag:s15] =	ssyncadd.s32 $0xFFFFF9C0  }
0x72: {  	s18 =	sadd.s32 $0x1, s18;
	_ =	swait.ge [sflag:s15], $0x640  }
0x73: {  	p0 =	sne.s32 s18, s7;
	[sflag:s15] =	ssyncset.done $0x0  }
.Ltmp4:
0x74: {  	[sflag:s15] =	ssyncadd.s32 $0xFFFFF9C0;
	(pc) =	sbr.rel @p0 .LBB2_1-.Ltmp4, $4  }
0x75: {  	[hbm4b:s6+s8] =	stream.strided.scatter [tilespmem:s16], [sflag:$0x3], $0x9C80, s9, s8, $0x38;
	[tilespmem:$0x1EF00] =	vst v63  }
0x76: {  	_ =	swait.ge [sflag:s10], $0x9C80  }
0x77: {  	[sflag:s10] =	ssyncset.done $0x0  }
0x78: {  	[sflag:s10] =	ssyncadd.s32 $0xFFFF6380  }
0x79: {  	_ =	sfence.sel $0x180000  }
0x7a: {  	[bflag:$0x0] =	sbarrier.arrive $0xFFFF  }
0x7b: {  	p0 =	sne.s32 s1, $0x0;
	_ =	strace $0x9000004A  }
0x7c: {  	s0 =	sadd.s32 @!p0 $0x100000, s0;
	[bflag:$0x2] =	sbarrier.arrive $0xFFFF  }
0x7d: {  	[sflag:s0] =	ssyncadd.tile.s32 @!p0 $0x1;
	_ =	shalt  }
.Lfunc_end2:
_tile_overlayer_lowered:
.L_overlay_start_2:
0x7e: {  	(tag) =	ssettag $0x2  }
0x7f: {  	s0 =	rddreg [dreg:$0x0];
	s2 =	stileid.u32  }
0x80: {  	s1 =	rddreg [dreg:$0x1];
	p0 =	sne.s32 s2, $0x0  }
0x81: {  	s3 =	rddreg [dreg:$0x2];
	[bflag:$0x3] =	sbarrier.arrive $0xFFFF;
	s2 =	simm.s32 @!p0 $0x1C03  }
0x82: {  	[timem:s3], [sflag:s2] =	dma.local @!p0 [hbm:s0], s1  }
0x83: {  	s0 =	simm.s32 @!p0 $0x3  }
0x84: {  	_ =	swait.ge @!p0 [sflag:s0], s1  }
0x85: {  	s1 =	ssub.s32 @!p0 $0x0, s1;
	[sflag:s0] =	ssyncset.done @!p0 $0x0  }
0x86: {  	[sflag:s0] =	ssyncadd.s32 @!p0 s1  }
0x87: {  	[bflag:$0x3] =	sbarrier.arrive $0xFFFF  }
0x88: {  	_ =	shalt  }

// kernel: kernel.7.cloned.1.call-start
scs
__scs_entry_jumppad:
0x0: {  	(pc) =	sbr.rel $0x88, $3  }
0x1: {  	(tag) =	ssettag $0x0;
	lr =	simm.s32 $0x1  }
0x2: {  	[smem:$0x3F98] =	sst lr;
	_ =	strace $0xD0000000  }
0x3: {  	_ = 	snop  }
0x4: {  	_ = 	snop  }
0x5: {  	_ = 	snop  }
0x6: {  	_ = 	snop  }
0x7: {  	_ = 	snop  }
__scs_overlays_trampoline_lowered:
0x8: {  	[smem:$0x3FA7] =	sst s0  }
0x9: {  	[smem:$0x3FA8] =	sst s1  }
0xa: {  	[smem:$0x3FA9] =	sst s2  }
0xb: {  	[smem:$0x3FAA] =	sst s3  }
0xc: {  	[smem:$0x3FAB] =	sst s4  }
0xd: {  	[smem:$0x3FAC] =	sst s5  }
0xe: {  	[smem:$0x3FAD] =	sst s6  }
0xf: {  	[smem:$0x3FAE] =	sst s7  }
0x10: {  	[smem:$0x3FAF] =	sst s8  }
0x11: {  	[smem:$0x3FB0] =	sst s9;
	s0 =	simm.s32 @!p0 $0x0  }
0x12: {  	s1 =	sld [smem:$0x3F96];
	s0 =	simm.s32 @p0 $0x1  }
0x13: {  	[smem:$0x3FB1] =	sst s0;
	s0 =	simm.s32 @!p1 $0x0  }
0x14: {  	s2 =	sld [smem:$0x3F95];
	s0 =	simm.s32 @p1 $0x1  }
0x15: {  	[smem:$0x3FB2] =	sst s0;
	s0 =	simm.s32 @!p2 $0x0  }
0x16: {  	s3 =	sld [smem:$0x3FDB];
	s0 =	simm.s32 @p2 $0x1  }
0x17: {  	s4 =	simm.s32 $0x1BF5;
	[smem:$0x3FB4] =	sst s0  }
0x18: {  	s0 =	sld [smem:$0x3F97];
	_ =	swait.ge [sflag:s4], $0x0  }
0x19: {  	s7 =	sld [smem:$0x3F98]  }
0x1a: {  	s8 =	sadd.s32 $0xFFFFE003, lr  }
0x1b: {  	s9 =	sadd.s32 $0xFFFFFEF7, lr;
	s5 =	simm.s32 $0xFFFFFFFF;
	p2 =	slt.u32 s8, $0xFFFFF086  }
0x1c: {  	p1 =	slt.u32 s9, $0xF7A;
	s5 =	simm.s32 @!p2 $0x0  }
0x1d: {  	s5 =	simm.s32 @p1 $0x1;
	p0 =	seq.s32 s7, s2  }
0x1e: {  	s7 =	smul.u32 @!p0 $0xF7A, s2;
	p2 =	seq.s32 @!p0 s5, $0x0  }
0x1f: {  	s9 =	smul.u32 $0xF7A, s1;
	s8 =	simm.s32 @!p0 $0x1BF5;
	p2 =	por !p2, p0  }
0x20: {  	[sflag:s8] =	ssyncset.s32 @!p0 $0xFFFFF086;
	s6 =	sadd.s32 @!p0 s3, s7;
	s7 =	simm.s32 @!p0 $0x108  }
0x21: {  	s3 =	sadd.s32 s3, s9;
	s6 =	sadd.s32 @!p0 $0x88, s6;
	s7 =	simm.s32 @p2 $0x1082  }
0x22: {  	[simem:s7], [sflag:s8] =	dma.local @!p0 [hbm:s6], $0xF7A  }
0x23: {  	s9 =	sor.u32 $0xD0000000, s2;
	s6 =	simm.s32 $0x108;
	_ =	swait.ge @!p0 [sflag:s8], $0x0  }
0x24: {  	s3 =	sadd.s32 $0x88, s3;
	s6 =	simm.s32 @!p1 $0x1082;
	[sflag:s4] =	ssyncset.s32 $0xFFFFF086  }
0x25: {  	[simem:s6], [sflag:s4] =	dma.local [hbm:s3], $0xF7A  }
0x26: {  	[smem:$0x3F98] =	sst s1;
	(tag) =	ssettag s2;
	_ =	strace s9  }
0x27: {  	s1 =	sld [smem:$0x3FA8]  }
0x28: {  	s2 =	sld [smem:$0x3FA9]  }
0x29: {  	s4 =	sld [smem:$0x3FAB]  }
0x2a: {  	p0 =	seq.s32 s5, $0x0;
	s5 =	sld [smem:$0x3FAC]  }
0x2b: {  	s6 =	sld [smem:$0x3FAD]  }
0x2c: {  	s7 =	sld [smem:$0x3FAE]  }
0x2d: {  	s3 =	simm.s32 $0x108;
	s8 =	sld [smem:$0x3FAF]  }
0x2e: {  	s3 =	simm.s32 @!p0 $0x1082;
	s9 =	sld [smem:$0x3FB0]  }
0x2f: {  	lr =	sadd.s32 s0, s3;
	s0 =	sld [smem:$0x3FA7]  }
0x30: {  	s3 =	sld [smem:$0x3FAA]  }
0x31: {  	[smem:$0x3FB3] =	sst s10  }
0x32: {  	s10 =	sld [smem:$0x3FB1];
	_ =	sdelay $0x3  }
0x33: {  	p0 =	seq.s32 s10, $0x1;
	s10 =	sld [smem:$0x3FB3];
	_ =	sdelay $0x3  }
0x34: {  	[smem:$0x3FB3] =	sst s10  }
0x35: {  	s10 =	sld [smem:$0x3FB2];
	_ =	sdelay $0x3  }
0x36: {  	p1 =	seq.s32 s10, $0x1;
	s10 =	sld [smem:$0x3FB3];
	_ =	sdelay $0x3  }
0x37: {  	[smem:$0x3FB3] =	sst s10  }
0x38: {  	s10 =	sld [smem:$0x3FB4]  }
0x39: {  	_ = 	snop;
	(pc) =	sbr.ind lr, $3  }
0x3a: {  	_ = 	snop  }
0x3b: {  	_ = 	snop  }
0x3c: {  	p2 =	seq.s32 s10, $0x1;
	s10 =	sld [smem:$0x3FB3]  }
0x3d: {  	_ =	shalt  }
0x3e: {  	_ =	shalt  }
0x3f: {  	_ =	shalt  }
0x40: {  	_ =	shalt  }
0x41: {  	_ =	shalt  }
0x42: {  	_ =	shalt  }
0x43: {  	_ =	shalt  }
0x44: {  	_ =	shalt  }
0x45: {  	_ =	shalt  }
0x46: {  	_ =	shalt  }
0x47: {  	_ =	shalt  }
0x48: {  	_ =	shalt  }
0x49: {  	_ =	shalt  }
0x4a: {  	_ =	shalt  }
0x4b: {  	_ =	shalt  }
0x4c: {  	_ =	shalt  }
0x4d: {  	_ =	shalt  }
0x4e: {  	_ =	shalt  }
0x4f: {  	_ =	shalt  }
0x50: {  	_ =	shalt  }
0x51: {  	_ =	shalt  }
0x52: {  	_ =	shalt  }
0x53: {  	_ =	shalt  }
0x54: {  	_ =	shalt  }
0x55: {  	_ =	shalt  }
0x56: {  	_ =	shalt  }
0x57: {  	_ =	shalt  }
0x58: {  	_ =	shalt  }
0x59: {  	_ =	shalt  }
0x5a: {  	_ =	shalt  }
0x5b: {  	_ =	shalt  }
0x5c: {  	_ =	shalt  }
0x5d: {  	_ =	shalt  }
0x5e: {  	_ =	shalt  }
0x5f: {  	_ =	shalt  }
0x60: {  	_ =	shalt  }
0x61: {  	_ =	shalt  }
0x62: {  	_ =	shalt  }
0x63: {  	_ =	shalt  }
0x64: {  	_ =	shalt  }
0x65: {  	_ =	shalt  }
0x66: {  	_ =	shalt  }
0x67: {  	_ =	shalt  }
0x68: {  	_ =	shalt  }
0x69: {  	_ =	shalt  }
0x6a: {  	_ =	shalt  }
0x6b: {  	_ =	shalt  }
0x6c: {  	_ =	shalt  }
0x6d: {  	_ =	shalt  }
0x6e: {  	_ =	shalt  }
0x6f: {  	_ =	shalt  }
0x70: {  	_ =	shalt  }
0x71: {  	_ =	shalt  }
0x72: {  	_ =	shalt  }
0x73: {  	_ =	shalt  }
0x74: {  	_ =	shalt  }
0x75: {  	_ =	shalt  }
0x76: {  	_ =	shalt  }
0x77: {  	_ =	shalt  }
0x78: {  	_ =	shalt  }
0x79: {  	_ =	shalt  }
0x7a: {  	_ =	shalt  }
0x7b: {  	_ =	shalt  }
0x7c: {  	_ =	shalt  }
0x7d: {  	_ =	shalt  }
0x7e: {  	_ =	shalt  }
0x7f: {  	_ =	shalt  }
0x80: {  	_ =	shalt  }
0x81: {  	_ =	shalt  }
0x82: {  	_ =	shalt  }
0x83: {  	_ =	shalt  }
0x84: {  	_ =	shalt  }
0x85: {  	_ =	shalt  }
0x86: {  	_ =	shalt  }
0x87: {  	_ =	shalt  }
.Lfunc_end0:
.L_simem_size_0:
called_computation_lowered:
.L_overlay_start_0:
0x88: {  	s2 =	sld [smem:$0x3FD9]  }
0x89: {  	s3 =	sld [smem:$0x3FFE];
	_ =	sdelay $0x1  }
0x8a: {  	s1 =	srdreg.scid  }
0x8b: {  	s0 =	sand.u32 $0x1, s1  }
0x8c: {  	s17 =	sshll.u32 s0, $0xA;
	s2 =	sadd.s32 s3, s2  }
0x8d: {  	s2 =	sadd.s32 s2, s17  }
0x8e: {  	[smem:$0x3FBF] =	sst s2  }
0x8f: {  	_ = 	snop  }
0x90: {  	s2 =	sld [smem:$0x3FC8]  }
0x91: {  	s18 =	sld [smem:$0x3FC7]  }
0x92: {  	s4 =	sld [smem:$0x3FD0];
	(tm) =	ssettm $0x1  }
0x93: {  	s5 =	sld [smem:$0x3FFB];
	_ =	sdelay $0x3  }
0x94: {  	_ =	strace s5  }
0x95: {  	s5 =	sld [smem:$0x3FFC];
	_ =	sdelay $0x3  }
0x96: {  	_ =	strace s5  }
0x97: {  	s5 =	sld [smem:$0x3FFD];
	_ =	sdelay $0x3  }
0x98: {  	_ =	strace s5  }
0x99: {  	_ =	strace $0x8FFFFFFF  }
0x9a: {  	s19 =	sld [smem:$0x3FDB];
	_ =	sdelay $0x1  }
0x9b: {  	s6 =	simm.s32 $_scs_section_size  }
0x9c: {  	s7 =	simm.s32 $_size__tile_overlayer_lowered;
	s8 =	simm.s32 $_tile_overlayer_lowered  }
0x9d: {  	s22 =	simm.s32 $0x1BFF;
	s21 =	sshll.u32 s8, $0x1;
	s5 =	sadd.s32 s6, s19  }
0x9e: {  	s9 =	simm.s32 $0x0;
	s20 =	sshll.u32 s7, $0x1;
	s7 =	sadd.s32 s21, s5  }
0x9f: {  	[timem:s9], [sflag:s22] =	dma.local [hbm:s7], s20  }
0xa0: {  	_ =	swait.ge [sflag:s22], s20  }
0xa1: {  	s6 =	ssub.s32 $0x0, s20;
	[sflag:s22] =	ssyncset.done $0x0  }
0xa2: {  	[sflag:s22] =	ssyncadd.s32 s6;
	_ =	sdelay $0x1  }
0xa3: {  	s23 =	simm.s32 $0x1B8B  }
0xa4: {  	_ =	swait.ge [sflag:s23], $0x1  }
0xa5: {  	[sflag:s23] =	ssyncset.done $0x0  }
0xa6: {  	s25 =	simm.s32 $0x1B8E;
	s24 =	sld [smem:$0x3FFE];
	[sflag:s23] =	ssyncadd.s32 $0xFFFFFFFF  }
0xa7: {  	s26 =	simm.s32 $execute0_lowered;
	[smem:$0x3FD2] =	sst s25  }
0xa8: {  	s7 =	sshll.u32 s26, $0x1;
	_ =	strace $0x80000046;
	[dreg:$0x1] =	wrdreg $0xFFFFFFFF  }
0xa9: {  	s28 =	simm.s32 $_size_execute0_lowered;
	s5 =	sadd.s32 s5, s7;
	[dreg:$0x0] =	wrdreg $0x0  }
0xaa: {  	s7 =	sshll.u32 s28, $0x1;
	[dreg:$0x2] =	wrdreg s5  }
0xab: {  	[dreg:$0x3] =	wrdreg s7  }
0xac: {  	[dreg:$0x4] =	wrdreg $0xC0  }
0xad: {  	_ =	task [dreg:s9], $0x5FFFF  }
0xae: {  	[dreg:$0x1] =	wrdreg $0xFFFFFFFF  }
0xaf: {  	[dreg:$0x0] =	wrdreg $0x60  }
0xb0: {  	[dreg:$0x2] =	wrdreg s2  }
0xb1: {  	[dreg:$0x3] =	wrdreg s18  }
0xb2: {  	[dreg:$0x4] =	wrdreg s24  }
0xb3: {  	[dreg:$0x5] =	wrdreg s4  }
0xb4: {  	[dreg:$0x6] =	wrdreg $0x9  }
0xb5: {  	_ =	task.clear_ibuf [dreg:s9], $0x7FFFF;
	_ =	strace $0x90000046  }
0xb6: {  	s29 =	simm.s32 $0x9;
	_ =	strace $0x80000048  }
0xb7: {  	_ =	swait.ge [sflag:s29], $0x1  }
0xb8: {  	[sflag:s29] =	ssyncadd.s32 $0xFFFFFFFF  }
0xb9: {  	_ =	strace $0x90000048  }
0xba: {  	_ =	sfence  }
0xbb: {  	s30 =	sld [smem:$0x0];
	_ =	sdelay $0x2  }
0xbc: {  	s31 =	sshll.u32 s1, $0xD;
	s1 =	sshrl.u32 s1, $0x2  }
0xbd: {  	s3 =	sand.u32 $0x4000, s31;
	s1 =	sadd.s32 s1, s30  }
0xbe: {  	s0 =	sor.u32 s3, s0;
	s1 =	sshll.u32 s1, $0x11  }
0xbf: {  	s0 =	sor.u32 s1, s0  }
0xc0: {  	s0 =	sadd.s32 $0x8F2B, s0  }
0xc1: {  	[sflag:s0] =	ssyncadd.remote.s32 $0x1  }
0xc2: {  	_ =	sfence.sel $0xFFFF  }
0xc3: {  	[dreg:$0x0] =	wrdreg $0xFFFFFFFF;
	(pc) =	sbr.abs _section_cstart, $3  }
0xc4: {  	[dreg:$0x1] =	wrdreg $0xFFFFFFFF  }
0xc5: {  	_ =	task.clear_ibuf [dreg:s9], $0x2FFFF;
	_ =	strace $0x9FFFFFFF  }
0xc6: {  	(tm) =	ssettm $0x7FFFFFFF  }
0xc7: {  	_ =	shalt  }
tec
execute0_lowered:
.L_overlay_start_1:
0x0: {  	(tag) =	ssettag $0x1  }
0x1: {  	s1 =	rddreg [dreg:$0x0]  }
0x2: {  	s2 =	srdreg.scid;
	s8 =	rddreg [dreg:$0x2]  }
0x3: {  	s0 =	stileid.u32;
	s10 =	rddreg [dreg:$0x3];
	s4 =	simm.s32 $0x0  }
0x4: {  	s14 =	simm.s32 $0x1E380;
	s16 =	simm.s32 $0x1;
	s17 =	simm.s32 $0x9C80  }
0x5: {  	s19 =	simm.s32 $0x2;
	s20 =	simm.s32 $0x0;
	s7 =	sshrl.u32 s0, $0x2  }
0x6: {  	s5 =	sand.u32 $0x1, s2;
	s2 =	rddreg [dreg:$0x1];
	s9 =	smul.u32 $0x4E400, s7  }
0x7: {  	s3 =	sshll.u32 s0, $0x1;
	[smem:$0x7FF] =	sst s4;
	s12 =	smul.u32 $0x9C400, s7  }
0x8: {  	s6 =	sor.u32 s5, s3;
	s5 =	ssub.s32 $0x2, s5;
	s7 =	smul.u32 $0xC00, s7  }
0x9: {  	s3 =	sshll.u32 s6, $0x7;
	s13 =	sshrl.u32 s5, $0x1;
	s15 =	smul.u32 $0x139, s6  }
0xa: {  	s11 =	sand.u32 $0x380, s3;
	s3 =	rddreg [dreg:$0x4];
	_ =	strace $0x80000047  }
0xb: {  	s31 =	ssub.s32 s5, s13;
	s13 =	simm.s32 $0x1DD00;
	s9 =	sor.u32 s9, s11  }
0xc: {  	s12 =	sor.u32 s12, s11;
	s7 =	sor.u32 s7, s11;
	s18 =	sadd.s32 $0x139, s15  }
0xd: {  	s11 =	simm.s32 $0x3;
	v0 =	vmov s15;
	s15 =	simm.s32 $0x1EA00;
	s9 =	sshrl.u32 s9, $0x3  }
0xe: {  	s12 =	sshrl.u32 s12, $0x3;
	s7 =	sshrl.u32 s7, $0x3;
	v1 =	vmov s18;
	s18 =	simm.s32 $0x1D500  }
0xf: {  	s9 =	sadd.s32 s9, s8;
	s30 =	sadd.s32 s12, s8;
	s7 =	sadd.s32 s10, s7  }
0x10: {  	s8 =	smax.u32 s31, $0x1;
	s10 =	simm.s32 $0x400;
	s12 =	simm.s32 $0x1D680  }
0x11: {  	v2 =	vimm.f32 $0.0e+00;
	v3 =	vimm.f32 $1.000000000e+00;
	s5 =	sadd.s32 $0x2200, s9;
	s6 =	sadd.s32 $0x29400, s30;
	s9 =	simm.s32 $0x80  }
.LBB2_1:
0x12: {  	[tilespmem:s4], [sflag:$0x3] =	stream.strided.gather [hbm4b:s5+s9], $0x9C80, s10, s9, $0x38;
	[tilespmem:$0x1F080] =	vst v63  }
0x13: {  	_ =	swait.ge [sflag:s11], $0x9C80  }
0x14: {  	[sflag:s11] =	ssyncset.done $0x0  }
0x15: {  	s21 =	simm.s32 $0x40;
	s22 =	simm.s32 $0x0;
	[sflag:s11] =	ssyncadd.s32 $0xFFFF6380  }
.LBB2_2:
0x16: {  	p0 =	sne.s32 s21, $0x4E1C0;
	[tilespmem:s22+$0x9C80] =	vst v2;
	s22 =	smov.u32 s21;
	s21 =	sadd.s32 $0x40, s21  }
.Ltmp0:
0x17: {  	(pc) =	sbr.rel @p0 .LBB2_2-.Ltmp0, $2  }
0x18: {  	_ =	sdelay $0x2  }
0x19: {  	s22 =	sshra.s32 s22, $0x2  }
0x1a: {  	[tilespmem:s22+$0x9C80] =	vst v2  }
0x1b: {  	[tilespmem:$0x1D500] =	vst v2  }
0x1c: {  	[tilespmem:$0x1D510] =	vst v2  }
0x1d: {  	[tilespmem:$0x1D520] =	vst v2  }
0x1e: {  	[tilespmem:$0x1D530] =	vst v2  }
0x1f: {  	[tilespmem:$0x1D540] =	vst v2  }
0x20: {  	[tilespmem:$0x1D550] =	vst v2  }
0x21: {  	[tilespmem:$0x1D560] =	vst v2  }
0x22: {  	[tilespmem:$0x1D570] =	vst v2  }
0x23: {  	[tilespmem:$0x1D580] =	vst v2  }
0x24: {  	[tilespmem:$0x1D590] =	vst v2  }
0x25: {  	[tilespmem:$0x1D5A0] =	vst v2  }
0x26: {  	[tilespmem:$0x1D5B0] =	vst v2  }
0x27: {  	[tilespmem:$0x1D5C0] =	vst v2  }
0x28: {  	[tilespmem:$0x1D5D0] =	vst v2  }
0x29: {  	[tilespmem:$0x1D5E0] =	vst v2  }
0x2a: {  	[tilespmem:$0x1D5F0] =	vst v2  }
0x2b: {  	[tilespmem:$0x1D600] =	vst v2  }
0x2c: {  	[tilespmem:$0x1D610] =	vst v2  }
0x2d: {  	[tilespmem:$0x1D620] =	vst v2  }
0x2e: {  	s21 =	simm.s32 $0x0;
	[tilespmem:$0x1D630] =	vst v2  }
0x2f: {  	[tilespmem:s12], [sflag:$0x1] =	stream.linear.gather [hbm4b:s1+s21], $0x640, $0x38;
	[tilespmem:$0x1F080] =	vst v63  }
0x30: {  	s22 =	simm.s32 $0x0  }
0x31: {  	[tilespmem:s13], [sflag:$0x1] =	stream.linear.gather [hbm4b:s2+s21], $0x640, $0x38;
	[tilespmem:$0x1F080] =	vst v63  }
.LBB2_4:
0x32: {  	s23 =	smul.u32 $0xC80, s22;
	_ =	sdelay $0x1  }
0x33: {  	s23 =	sshrl.u32 s23, $0x3  }
0x34: {  	s23 =	sadd.s32 $0xC8, s23  }
0x35: {  	s24 =	sadd.s32 s1, s23  }
0x36: {  	[tilespmem:s14], [sflag:$0x2] =	stream.linear.gather [hbm4b:s24+s21], $0x640, $0x38;
	[tilespmem:$0x1F080] =	vst v63  }
0x37: {  	s23 =	sadd.s32 s2, s23  }
0x38: {  	[tilespmem:s15], [sflag:$0x2] =	stream.linear.gather [hbm4b:s23+s21], $0x640, $0x38;
	[tilespmem:$0x1F080] =	vst v63  }
0x39: {  	_ =	swait.ge [sflag:s16], $0x640  }
0x3a: {  	[sflag:s16] =	ssyncset.done $0x0  }
0x3b: {  	[sflag:s16] =	ssyncadd.s32 $0xFFFFF9C0  }
0x3c: {  	_ =	swait.ge [sflag:s16], $0x640  }
0x3d: {  	[sflag:s16] =	ssyncset.done $0x0  }
0x3e: {  	s31 =	simm.s32 $0x0;
	[sflag:s16] =	ssyncadd.s32 $0xFFFFF9C0  }
0x3f: {  	v4 =	vld [tilespmem:s31+$0x1D680];
	_ =	sdelay $0x4  }
0x40: {  	v6 =	vld [tilespmem:s31+$0x1DD00];
	v5 =	vadd.s32 $0x2710, v4  }
0x41: {  	v7 =	vadd.s32 $0x4E20, v4  }
0x42: {  	v8 =	vadd.s32 $0x7530, v4;
	_ =	sdelay $0x1  }
0x43: {  	v9 =	vld.idx.msk [tilespmem:v4+s4+$0x0], $0xffff  }
0x44: {  	v10 =	vadd.s32 $0x4E20, v6;
	v5 =	vld.idx.msk [tilespmem:v5+s4+$0x0], $0xffff  }
0x45: {  	v11 =	vadd.s32 $0x9C40, v6;
	v7 =	vld.idx.msk [tilespmem:v7+s4+$0x0], $0xffff  }
0x46: {  	v12 =	vadd.s32 $0xEA60, v6;
	vm0 =	vge.s32 v4, v0;
	vm1 =	vlt.s32 v4, v1;
	v8 =	vld.idx.msk [tilespmem:v8+s4+$0x0], $0xffff  }
0x47: {  	vm0 =	vmand vm0, vm1;
	v4 =	vsub.s32 v4, v0  }
0x48: {  	v4 =	vnsel vm0, $0x0, v4;
	[tilespmem:v6+s17+$0x0] =	vst.idx.add.f32.msk $0xffff, v9  }
0x49: {  	[tilespmem:v10+s17+$0x0] =	vst.idx.add.f32.msk $0xffff, v5  }
0x4a: {  	[tilespmem:v11+s17+$0x0] =	vst.idx.add.f32.msk $0xffff, v7  }
0x4b: {  	s24 =	simm.s32 $0x80;
	s23 =	simm.s32 $0x40;
	[tilespmem:v12+s17+$0x0] =	vst.idx.add.f32.msk $0xffff, v8  }
.LBB2_5:
0x4c: {  	p0 =	sne.s32 s24, $0x18C0  }
0x4d: {  	s25 =	sshra.s32 s23, $0x2;
	[tilespmem:v4+s18+$0x0] =	vst.idx.add.f32.msk vm0, v3;
	s23 =	smov.u32 s24;
	s24 =	sadd.s32 $0x40, s24  }
0x4e: {  	v4 =	vld [tilespmem:s25+$0x1D680];
	_ =	sdelay $0x4  }
0x4f: {  	v5 =	vadd.s32 $0x2710, v4;
	v6 =	vadd.s32 $0x4E20, v4;
	v7 =	vadd.s32 $0x7530, v4  }
0x50: {  	vm0 =	vge.s32 v4, v0;
	vm1 =	vlt.s32 v4, v1;
	v8 =	vld [tilespmem:s25+$0x1DD00]  }
0x51: {  	vm0 =	vmand vm0, vm1;
	_ =	sdelay $0x1  }
0x52: {  	v9 =	vld.idx.msk [tilespmem:v4+s4+$0x0], $0xffff  }
0x53: {  	v5 =	vld.idx.msk [tilespmem:v5+s4+$0x0], $0xffff  }
0x54: {  	v6 =	vld.idx.msk [tilespmem:v6+s4+$0x0], $0xffff;
	v10 =	vadd.s32 $0x4E20, v8  }
0x55: {  	v11 =	vadd.s32 $0x9C40, v8;
	v7 =	vld.idx.msk [tilespmem:v7+s4+$0x0], $0xffff  }
0x56: {  	v4 =	vsub.s32 v4, v0;
	v12 =	vadd.s32 $0xEA60, v8  }
.Ltmp1:
0x57: {  	v4 =	vnsel vm0, $0x0, v4;
	(pc) =	sbr.rel @p0 .LBB2_5-.Ltmp1, $4  }
0x58: {  	[tilespmem:v8+s17+$0x0] =	vst.idx.add.f32.msk $0xffff, v9  }
0x59: {  	[tilespmem:v10+s17+$0x0] =	vst.idx.add.f32.msk $0xffff, v5  }
0x5a: {  	[tilespmem:v11+s17+$0x0] =	vst.idx.add.f32.msk $0xffff, v6  }
0x5b: {  	[tilespmem:v12+s17+$0x0] =	vst.idx.add.f32.msk $0xffff, v7  }
0x5c: {  	_ =	sdelay $0x4  }
0x5d: {  	s23 =	sshra.s32 s23, $0x2;
	[tilespmem:v4+s18+$0x0] =	vst.idx.add.f32.msk vm0, v3  }
0x5e: {  	v4 =	vld [tilespmem:s23+$0x1D680];
	_ =	sdelay $0x4  }
0x5f: {  	v6 =	vld [tilespmem:s23+$0x1DD00];
	v5 =	vadd.s32 $0x2710, v4  }
0x60: {  	v7 =	vadd.s32 $0x4E20, v4  }
0x61: {  	v8 =	vadd.s32 $0x7530, v4;
	_ =	sdelay $0x1  }
0x62: {  	v9 =	vld.idx.msk [tilespmem:v4+s4+$0x0], $0xffff  }
0x63: {  	v10 =	vadd.s32 $0x4E20, v6;
	v5 =	vld.idx.msk [tilespmem:v5+s4+$0x0], $0xffff  }
0x64: {  	vm0 =	vge.s32 v4, v0;
	vm1 =	vlt.s32 v4, v1;
	v11 =	vadd.s32 $0x9C40, v6;
	v7 =	vld.idx.msk [tilespmem:v7+s4+$0x0], $0xffff  }
0x65: {  	s30 =	sshll.u32 s22, $0x1;
	v12 =	vadd.s32 $0xEA60, v6;
	vm0 =	vmand vm0, vm1;
	v4 =	vsub.s32 v4, v0;
	v8 =	vld.idx.msk [tilespmem:v8+s4+$0x0], $0xffff  }
0x66: {  	s23 =	smin.u32 s30, $0xC5;
	v4 =	vnsel vm0, $0x0, v4  }
0x67: {  	s23 =	smul.u32 $0x640, s23;
	[tilespmem:v6+s17+$0x0] =	vst.idx.add.f32.msk $0xffff, v9  }
0x68: {  	[tilespmem:v10+s17+$0x0] =	vst.idx.add.f32.msk $0xffff, v5  }
0x69: {  	s23 =	sshrl.u32 s23, $0x3;
	[tilespmem:v11+s17+$0x0] =	vst.idx.add.f32.msk $0xffff, v7  }
0x6a: {  	s23 =	sadd.s32 $0x190, s23;
	[tilespmem:v12+s17+$0x0] =	vst.idx.add.f32.msk $0xffff, v8  }
0x6b: {  	s25 =	simm.s32 $0x0;
	s24 =	sadd.s32 s1, s23;
	[tilespmem:v4+s18+$0x0] =	vst.idx.add.f32.msk vm0, v3  }
0x6c: {  	[tilespmem:s12], [sflag:$0x1] =	stream.linear.gather [hbm4b:s24+s25], $0x640, $0x38;
	[tilespmem:$0x1F080] =	vst v63  }
0x6d: {  	s23 =	sadd.s32 s2, s23  }
0x6e: {  	[tilespmem:s13], [sflag:$0x1] =	stream.linear.gather [hbm4b:s23+s25], $0x640, $0x38;
	[tilespmem:$0x1F080] =	vst v63  }
0x6f: {  	_ =	swait.ge [sflag:s19], $0x640  }
0x70: {  	[sflag:s19] =	ssyncset.done $0x0  }
0x71: {  	[sflag:s19] =	ssyncadd.s32 $0xFFFFF9C0  }
0x72: {  	_ =	swait.ge [sflag:s19], $0x640  }
0x73: {  	[sflag:s19] =	ssyncset.done $0x0  }
0x74: {  	s31 =	simm.s32 $0x0;
	[sflag:s19] =	ssyncadd.s32 $0xFFFFF9C0  }
0x75: {  	v4 =	vld [tilespmem:s31+$0x1E380];
	_ =	sdelay $0x4  }
0x76: {  	v6 =	vld [tilespmem:s31+$0x1EA00];
	v5 =	vadd.s32 $0x2710, v4  }
0x77: {  	v7 =	vadd.s32 $0x4E20, v4  }
0x78: {  	v59 =	vadd.s32 $0x7530, v4;
	_ =	sdelay $0x1  }
0x79: {  	v60 =	vld.idx.msk [tilespmem:v4+s4+$0x0], $0xffff  }
0x7a: {  	v61 =	vadd.s32 $0x4E20, v6;
	v5 =	vld.idx.msk [tilespmem:v5+s4+$0x0], $0xffff  }
0x7b: {  	v62 =	vadd.s32 $0x9C40, v6;
	v7 =	vld.idx.msk [tilespmem:v7+s4+$0x0], $0xffff  }
0x7c: {  	v63 =	vadd.s32 $0xEA60, v6;
	vm0 =	vge.s32 v4, v0;
	vm1 =	vlt.s32 v4, v1;
	v8 =	vld.idx.msk [tilespmem:v59+s4+$0x0], $0xffff  }
0x7d: {  	vm0 =	vmand vm0, vm1;
	v4 =	vsub.s32 v4, v0  }
0x7e: {  	v4 =	vnsel vm0, $0x0, v4;
	[tilespmem:v6+s17+$0x0] =	vst.idx.add.f32.msk $0xffff, v60  }
0x7f: {  	[tilespmem:v61+s17+$0x0] =	vst.idx.add.f32.msk $0xffff, v5  }
0x80: {  	[tilespmem:v62+s17+$0x0] =	vst.idx.add.f32.msk $0xffff, v7  }
0x81: {  	s24 =	simm.s32 $0x80;
	s23 =	simm.s32 $0x40;
	[tilespmem:v63+s17+$0x0] =	vst.idx.add.f32.msk $0xffff, v8  }
.LBB2_7:
0x82: {  	p0 =	sne.s32 s24, $0x18C0  }
0x83: {  	s25 =	sshra.s32 s23, $0x2;
	[tilespmem:v4+s18+$0x0] =	vst.idx.add.f32.msk vm0, v3;
	s23 =	smov.u32 s24;
	s24 =	sadd.s32 $0x40, s24  }
0x84: {  	v4 =	vld [tilespmem:s25+$0x1E380];
	_ =	sdelay $0x4  }
0x85: {  	v5 =	vadd.s32 $0x2710, v4;
	v6 =	vadd.s32 $0x4E20, v4;
	v7 =	vadd.s32 $0x7530, v4  }
0x86: {  	vm0 =	vge.s32 v4, v0;
	vm1 =	vlt.s32 v4, v1;
	v8 =	vld [tilespmem:s25+$0x1EA00]  }
0x87: {  	vm0 =	vmand vm0, vm1;
	_ =	sdelay $0x1  }
0x88: {  	v9 =	vld.idx.msk [tilespmem:v4+s4+$0x0], $0xffff  }
0x89: {  	v5 =	vld.idx.msk [tilespmem:v5+s4+$0x0], $0xffff  }
0x8a: {  	v6 =	vld.idx.msk [tilespmem:v6+s4+$0x0], $0xffff;
	v10 =	vadd.s32 $0x4E20, v8  }
0x8b: {  	v11 =	vadd.s32 $0x9C40, v8;
	v7 =	vld.idx.msk [tilespmem:v7+s4+$0x0], $0xffff  }
0x8c: {  	v4 =	vsub.s32 v4, v0;
	v12 =	vadd.s32 $0xEA60, v8  }
.Ltmp2:
0x8d: {  	v4 =	vnsel vm0, $0x0, v4;
	(pc) =	sbr.rel @p0 .LBB2_7-.Ltmp2, $4  }
0x8e: {  	[tilespmem:v8+s17+$0x0] =	vst.idx.add.f32.msk $0xffff, v9  }
0x8f: {  	[tilespmem:v10+s17+$0x0] =	vst.idx.add.f32.msk $0xffff, v5  }
0x90: {  	[tilespmem:v11+s17+$0x0] =	vst.idx.add.f32.msk $0xffff, v6  }
0x91: {  	[tilespmem:v12+s17+$0x0] =	vst.idx.add.f32.msk $0xffff, v7  }
0x92: {  	_ =	sdelay $0x4  }
0x93: {  	s23 =	sshra.s32 s23, $0x2;
	[tilespmem:v4+s18+$0x0] =	vst.idx.add.f32.msk vm0, v3  }
0x94: {  	v4 =	vld [tilespmem:s23+$0x1E380];
	_ =	sdelay $0x4  }
0x95: {  	v6 =	vld [tilespmem:s23+$0x1EA00];
	v5 =	vadd.s32 $0x2710, v4  }
0x96: {  	v7 =	vadd.s32 $0x4E20, v4  }
0x97: {  	v8 =	vadd.s32 $0x7530, v4;
	_ =	sdelay $0x1  }
0x98: {  	v9 =	vld.idx.msk [tilespmem:v4+s4+$0x0], $0xffff  }
0x99: {  	v10 =	vadd.s32 $0x4E20, v6;
	v5 =	vld.idx.msk [tilespmem:v5+s4+$0x0], $0xffff  }
0x9a: {  	vm15 =	vge.s32 v4, v0;
	vm1 =	vlt.s32 v4, v1;
	v11 =	vadd.s32 $0x9C40, v6;
	v7 =	vld.idx.msk [tilespmem:v7+s4+$0x0], $0xffff  }
0x9b: {  	s22 =	sadd.s32 $0x1, s22;
	v12 =	vadd.s32 $0xEA60, v6;
	vm0 =	vmand vm15, vm1;
	v4 =	vsub.s32 v4, v0;
	v8 =	vld.idx.msk [tilespmem:v8+s4+$0x0], $0xffff  }
0x9c: {  	p0 =	sne.s32 s22, $0x64;
	v4 =	vnsel vm0, $0x0, v4  }
.Ltmp3:
0x9d: {  	[tilespmem:v6+s17+$0x0] =	vst.idx.add.f32.msk $0xffff, v9;
	(pc) =	sbr.rel @p0 .LBB2_4-.Ltmp3, $4  }
0x9e: {  	[tilespmem:v10+s17+$0x0] =	vst.idx.add.f32.msk $0xffff, v5  }
0x9f: {  	[tilespmem:v11+s17+$0x0] =	vst.idx.add.f32.msk $0xffff, v7  }
0xa0: {  	[tilespmem:v12+s17+$0x0] =	vst.idx.add.f32.msk $0xffff, v8  }
0xa1: {  	[tilespmem:v4+s18+$0x0] =	vst.idx.add.f32.msk vm0, v3  }
0xa2: {  	_ =	swait.ge [sflag:s16], $0x640  }
0xa3: {  	[sflag:s16] =	ssyncset.done $0x0  }
0xa4: {  	[sflag:s16] =	ssyncadd.s32 $0xFFFFF9C0  }
0xa5: {  	_ =	swait.ge [sflag:s16], $0x640  }
0xa6: {  	[sflag:s16] =	ssyncset.done $0x0  }
0xa7: {  	[sflag:s16] =	ssyncadd.s32 $0xFFFFF9C0  }
0xa8: {  	[hbm4b:s6+s9] =	stream.strided.scatter [tilespmem:s17], [sflag:$0x3], $0x13880, s10, s9, $0x38;
	[tilespmem:$0x1F080] =	vst v63  }
0xa9: {  	s20 =	sadd.s32 $0x1, s20;
	_ =	swait.ge [sflag:s11], $0x13880  }
0xaa: {  	p0 =	sne.s32 s20, s8;
	[sflag:s11] =	ssyncset.done $0x0  }
.Ltmp4:
0xab: {  	[sflag:s11] =	ssyncadd.s32 $0xFFFEC780;
	(pc) =	sbr.rel @p0 .LBB2_1-.Ltmp4, $4  }
0xac: {  	[hbm4b:s7+s9] =	stream.strided.scatter [tilespmem:s18], [sflag:$0x3], $0x180, s10, s9, $0x38;
	[tilespmem:$0x1F080] =	vst v63  }
0xad: {  	_ =	swait.ge [sflag:s11], $0x180  }
0xae: {  	[sflag:s11] =	ssyncset.done $0x0  }
0xaf: {  	[sflag:s11] =	ssyncadd.s32 $0xFFFFFE80  }
0xb0: {  	_ =	sfence.sel $0x180000  }
0xb1: {  	[bflag:$0x0] =	sbarrier.arrive $0xFFFF  }
0xb2: {  	p0 =	sne.s32 s0, $0x0;
	_ =	strace $0x90000047  }
0xb3: {  	s0 =	sadd.s32 @!p0 $0x100000, s3;
	[bflag:$0x2] =	sbarrier.arrive $0xFFFF  }
0xb4: {  	[sflag:s0] =	ssyncadd.tile.s32 @!p0 $0x1;
	_ =	shalt  }
.Lfunc_end2:
_tile_overlayer_lowered:
.L_overlay_start_2:
0xb5: {  	(tag) =	ssettag $0x2  }
0xb6: {  	s0 =	rddreg [dreg:$0x0];
	s2 =	stileid.u32  }
0xb7: {  	s1 =	rddreg [dreg:$0x1];
	p0 =	sne.s32 s2, $0x0  }
0xb8: {  	s3 =	rddreg [dreg:$0x2];
	[bflag:$0x3] =	sbarrier.arrive $0xFFFF;
	s2 =	simm.s32 @!p0 $0x1C03  }
0xb9: {  	[timem:s3], [sflag:s2] =	dma.local @!p0 [hbm:s0], s1  }
0xba: {  	s0 =	simm.s32 @!p0 $0x3  }
0xbb: {  	_ =	swait.ge @!p0 [sflag:s0], s1  }
0xbc: {  	s1 =	ssub.s32 @!p0 $0x0, s1;
	[sflag:s0] =	ssyncset.done @!p0 $0x0  }
0xbd: {  	[sflag:s0] =	ssyncadd.s32 @!p0 s1  }
0xbe: {  	[bflag:$0x3] =	sbarrier.arrive $0xFFFF  }
0xbf: {  	_ =	shalt  }

</sc_bundles>
